<compile_context>
chip_gen: v7x
topology: tpu7x:2x2x1
jax: 0.10.2.dev20260603
libtpu: 0.0.44.dev20260713+nightly
codegen_flags: <defaults>
</compile_context>

<pallas_src>
import functools

import jax
import jax.numpy as jnp
from jax import lax
from jax.experimental import pallas as pl
from jax.experimental.pallas import tpu as pltpu
from jax.experimental.pallas import tpu_sc as plsc

_T = 32768
_E = 8
_K = 2
_BLK = 1024
_L = 16
_NW = 32
_CHUNK = _T // _NW


def _logits_kernel(h_ref, gw_ref, lt_ref):
    h = h_ref[...]
    gw = gw_ref[...]
    logits = jax.lax.dot_general(
        h.astype(jnp.bfloat16), gw.astype(jnp.bfloat16),
        (((1,), (1,)), ((), ())),
        preferred_element_type=jnp.float32,
    )
    lt_ref[...] = jax.lax.transpose(logits, (1, 0))


def _tc_logits(hidden_states, gate_w):
    t = hidden_states.shape[0]
    e = gate_w.shape[0]
    grid = t // _BLK
    return pl.pallas_call(
        _logits_kernel,
        grid=(grid,),
        in_specs=[
            pl.BlockSpec((_BLK, hidden_states.shape[1]), lambda i: (i, 0)),
            pl.BlockSpec((e, hidden_states.shape[1]), lambda i: (0, 0)),
        ],
        out_specs=pl.BlockSpec((e, _BLK), lambda i: (0, i)),
        out_shape=jax.ShapeDtypeStruct((e, t), jnp.float32),
        compiler_params=pltpu.CompilerParams(
            dimension_semantics=("arbitrary",),
        ),
    )(hidden_states, gate_w)


def _sc_route(lt_hbm, bias_hbm, p1_hbm, pk_hbm, lg_v, bias_v, p1_v, pk_v):
    wid = lax.axis_index("s") * 2 + lax.axis_index("c")
    base = wid * _CHUNK
    pltpu.sync_copy(lt_hbm.at[:, pl.ds(base, _CHUNK)], lg_v)
    pltpu.sync_copy(bias_hbm, bias_v)

    def body(j, _):
        off = j * _L
        l = [lg_v[e, pl.ds(off, _L)] for e in range(_E)]
        m = l[0]
        for e in range(1, _E):
            m = jnp.maximum(m, l[e])
        ex = [jnp.exp(l[e] - m) for e in range(_E)]
        s = ex[0]
        for e in range(1, _E):
            s = s + ex[e]
        sc = [ex[e] / s for e in range(_E)]
        sel = [sc[e] + bias_v[e, :] for e in range(_E)]

        econst = [jnp.full((_L,), e, jnp.int32) for e in range(_E)]
        m1 = sel[0]
        for e in range(1, _E):
            m1 = jnp.maximum(m1, sel[e])
        i1 = jnp.full((_L,), _E, jnp.int32)
        for e in range(_E - 1, -1, -1):
            i1 = jnp.where(sel[e] == m1, econst[e], i1)
        ninf = jnp.full((_L,), -jnp.inf, jnp.float32)
        sel2 = [jnp.where(i1 == econst[e], ninf, sel[e]) for e in range(_E)]
        m2 = sel2[0]
        for e in range(1, _E):
            m2 = jnp.maximum(m2, sel2[e])
        i2 = jnp.full((_L,), _E, jnp.int32)
        for e in range(_E - 1, -1, -1):
            i2 = jnp.where(sel2[e] == m2, econst[e], i2)

        zero = jnp.zeros((_L,), jnp.float32)
        p1 = zero
        p2 = zero
        bits = jnp.zeros((_L,), jnp.int32)
        for e in range(_E):
            sel_e1 = i1 == econst[e]
            sel_e2 = i2 == econst[e]
            p1 = p1 + jnp.where(sel_e1, sc[e], zero)
            p2 = p2 + jnp.where(sel_e2, sc[e], zero)
            bits = bits | jnp.where(
                sel_e1 | sel_e2,
                jnp.full((_L,), 1 << e, jnp.int32),
                jnp.zeros((_L,), jnp.int32))
        p1_v[pl.ds(off, _L)] = p1 / (p1 + p2 + 1e-9)
        pk_v[pl.ds(off, _L)] = i1 | (i2 << 3) | (bits << 6)
        return _

    lax.fori_loop(0, _CHUNK // _L, body, None)
    pltpu.sync_copy(p1_v, p1_hbm.at[pl.ds(base, _CHUNK)])
    pltpu.sync_copy(pk_v, pk_hbm.at[pl.ds(base, _CHUNK)])


@jax.jit
def kernel(hidden_states, gate_w, expert_bias):
    t = hidden_states.shape[0]
    e = gate_w.shape[0]
    lt = _tc_logits(hidden_states, gate_w)
    bias_b = jnp.tile(expert_bias.reshape(e, 1), (1, _L))
    mesh = plsc.VectorSubcoreMesh(core_axis_name="c", subcore_axis_name="s")
    p1_row, pk_row = pl.kernel(
        _sc_route,
        mesh=mesh,
        out_type=[
            jax.ShapeDtypeStruct((t,), jnp.float32),
            jax.ShapeDtypeStruct((t,), jnp.int32),
        ],
        scratch_types=[
            pltpu.VMEM((e, _CHUNK), jnp.float32),
            pltpu.VMEM((e, _L), jnp.float32),
            pltpu.VMEM((_CHUNK,), jnp.float32),
            pltpu.VMEM((_CHUNK,), jnp.int32),
        ],
    )(lt, bias_b)
    p1 = p1_row
    v = pk_row
    probs = jnp.stack([p1, 1.0 - p1], axis=-1)
    idx = jnp.stack([v & 7, (v >> 3) & 7], axis=-1)
    rmap = ((v[:, None] >> (jnp.arange(_E, dtype=jnp.int32) + 6)) & 1) != 0
    aux_loss = jnp.zeros((), dtype=jnp.float32)
    return probs, idx, rmap, aux_loss

# --- scband reference (transcript-rebuilt; emitter-appended) ---
"""Pipeline reference for scband-top-krouter-56367150793178 (READ-ONLY COPY).

The authoritative reference and input builder live on the scoring server;
editing this copy changes nothing except your own understanding.
"""

import jax, jax.numpy as jnp
import numpy as np

T = 32768
HIDDEN = 2048
E = 8
K = 2

def setup_inputs(seed: int = 0) -> dict:
    key = jax.random.key(seed)
    k1, k2 = jax.random.split(key)
    hidden_states = jax.random.normal(k1, (T, HIDDEN), dtype=jnp.float32)
    gate_w = jax.random.normal(k2, (E, HIDDEN), dtype=jnp.float32) * (1.0 / np.sqrt(HIDDEN))
    expert_bias = jnp.zeros((E,), dtype=jnp.float32)
    return {"hidden_states": hidden_states, "gate_w": gate_w, "expert_bias": expert_bias}

def reference(hidden_states, gate_w, expert_bias):
    T_ = hidden_states.shape[0]
    logits = hidden_states @ gate_w.T
    scores = jax.nn.softmax(logits, axis=-1)
    # aux_loss_free: selection uses bias-adjusted scores, but probs gathered from raw scores
    selection_scores = scores + expert_bias[None, :]
    topk_values, topk_indices = jax.lax.top_k(selection_scores, K)
    probs = jnp.take_along_axis(scores, topk_indices, axis=-1)
    # score_func == softmax: renormalize selected probs
    probs = probs / (probs.sum(axis=-1, keepdims=True) + 1e-09)
    routing_map = jnp.zeros((T_, E), dtype=bool).at[jnp.arange(T_)[:, None], topk_indices].set(True)
    # load_balance == aux_loss_free -> zero aux loss
    aux_loss = jnp.asarray(0.0, dtype=scores.dtype)
    return probs, topk_indices, routing_map, aux_loss

if __name__ == "__main__":
    import jax
    _d = setup_inputs()
    print(jax.jit(kernel)(*tuple(_d.values())))

</pallas_src>

<mosaic_0001>
#map = affine_map<(d0, d1) -> (0, 0)>
#map1 = affine_map<(d0, d1) -> (0)>
module attributes {stable_mosaic.version = 14 : i64} {
  func.func @_sc_route(%arg0: i32, %arg1: i32, %arg2: memref<8x32768xf32, #tpu.memory_space<hbm>>, %arg3: memref<8x16xf32, #tpu.memory_space<hbm>>, %arg4: memref<32768xf32, #tpu.memory_space<hbm>>, %arg5: memref<32768xi32, #tpu.memory_space<hbm>>, %arg6: memref<8x1024xf32, #tpu.memory_space<vmem>>, %arg7: memref<8x16xf32, #tpu.memory_space<vmem>>, %arg8: memref<1024xf32, #tpu.memory_space<vmem>>, %arg9: memref<1024xi32, #tpu.memory_space<vmem>>) attributes {dimension_semantics = [#tpu.dimension_semantics<core_parallel>, #tpu.dimension_semantics<subcore_parallel>], iteration_bounds = array<i64: 2, 16>, scalar_prefetch = 0 : i64, scratch_operands = 4 : i64, tpu.core_type = #tpu.core_type<sc_vector_subcore>, window_params = [{transform_indices = #map}, {transform_indices = #map}, {transform_indices = #map1}, {transform_indices = #map1}]} {
    %mul3A = arith.constant 2 : i32
    %mul3A_0 = arith.muli %arg1, %mul3A : i32
    %add3A = arith.addi %mul3A_0, %arg0 : i32
    %mul3A_1 = arith.constant 1024 : i32
    %mul3A_2 = arith.muli %add3A, %mul3A_1 : i32
    "tpu.region"() ({
      %run_scoped3A = tpu.sem_alloc : memref<!tpu.dma_semaphore, #tpu.memory_space<semaphore_mem>>
      %dma_start3A = arith.constant 0 : i32
      %dma_start3A_7 = tpu.memref_slice %arg2[%dma_start3A, %mul3A_2] : memref<8x32768xf32, #tpu.memory_space<hbm>> -> memref<8x1024xf32, #tpu.memory_space<hbm>>
      %dma_start3A_8 = arith.constant 0 : i32
      %dma_start3A_9 = tpu.memref_slice %arg2[%dma_start3A_8, %mul3A_2] : memref<8x32768xf32, #tpu.memory_space<hbm>> -> memref<8x1024xf32, #tpu.memory_space<hbm>>
      tpu.enqueue_dma source(%dma_start3A_9 : memref<8x1024xf32, #tpu.memory_space<hbm>>) target(%arg6 : memref<8x1024xf32, #tpu.memory_space<vmem>>) target_semaphore(%run_scoped3A : memref<!tpu.dma_semaphore, #tpu.memory_space<semaphore_mem>>)
      %dma_wait3A = arith.constant 0 : i32
      %dma_wait3A_10 = tpu.memref_slice %arg2[%dma_wait3A, %mul3A_2] : memref<8x32768xf32, #tpu.memory_space<hbm>> -> memref<8x1024xf32, #tpu.memory_space<hbm>>
      %dma_wait3A_11 = arith.constant 0 : i32
      %dma_wait3A_12 = tpu.memref_slice %arg2[%dma_wait3A_11, %mul3A_2] : memref<8x32768xf32, #tpu.memory_space<hbm>> -> memref<8x1024xf32, #tpu.memory_space<hbm>>
      tpu.wait_dma2 semaphore(%run_scoped3A : memref<!tpu.dma_semaphore, #tpu.memory_space<semaphore_mem>>) src(%dma_wait3A_12 : memref<8x1024xf32, #tpu.memory_space<hbm>>) dst(%arg6 : memref<8x1024xf32, #tpu.memory_space<vmem>>)
      tpu.yield
    }) : () -> ()
    "tpu.region"() ({
      %run_scoped3A = tpu.sem_alloc : memref<!tpu.dma_semaphore, #tpu.memory_space<semaphore_mem>>
      tpu.enqueue_dma source(%arg3 : memref<8x16xf32, #tpu.memory_space<hbm>>) target(%arg7 : memref<8x16xf32, #tpu.memory_space<vmem>>) target_semaphore(%run_scoped3A : memref<!tpu.dma_semaphore, #tpu.memory_space<semaphore_mem>>)
      tpu.wait_dma2 semaphore(%run_scoped3A : memref<!tpu.dma_semaphore, #tpu.memory_space<semaphore_mem>>) src(%arg3 : memref<8x16xf32, #tpu.memory_space<hbm>>) dst(%arg7 : memref<8x16xf32, #tpu.memory_space<vmem>>)
      tpu.yield
    }) : () -> ()
    %scan3A = arith.constant 0 : i32
    %scan3A_3 = arith.constant 64 : i32
    %scan3A_4 = arith.addi %scan3A, %scan3A_3 : i32
    %scan3A_5 = arith.constant 1 : i32
    scf.for %scan3A_7 = %scan3A to %scan3A_4 step %scan3A_5  : i32 {
      %mul3A_8 = arith.constant 16 : i32
      %mul3A_9 = arith.muli %scan3A_7, %mul3A_8 : i32
      %get3A = arith.constant 0 : i32
      %get3A_10 = arith.index_cast %get3A : i32 to index
      %get3A_11 = arith.index_cast %mul3A_9 : i32 to index
      %get3A_12 = tpu.vector_load %arg6[%get3A_10, %get3A_11] {strides = array<i32>} : memref<8x1024xf32, #tpu.memory_space<vmem>>, vector<1x16xf32>,
      %get3A_13 = vector.shape_cast %get3A_12 : vector<1x16xf32> to vector<16xf32>
      %get3A_14 = arith.constant 1 : i32
      %get3A_15 = arith.index_cast %get3A_14 : i32 to index
      %get3A_16 = arith.index_cast %mul3A_9 : i32 to index
      %get3A_17 = tpu.vector_load %arg6[%get3A_15, %get3A_16] {strides = array<i32>} : memref<8x1024xf32, #tpu.memory_space<vmem>>, vector<1x16xf32>,
      %get3A_18 = vector.shape_cast %get3A_17 : vector<1x16xf32> to vector<16xf32>
      %get3A_19 = arith.constant 2 : i32
      %get3A_20 = arith.index_cast %get3A_19 : i32 to index
      %get3A_21 = arith.index_cast %mul3A_9 : i32 to index
      %get3A_22 = tpu.vector_load %arg6[%get3A_20, %get3A_21] {strides = array<i32>} : memref<8x1024xf32, #tpu.memory_space<vmem>>, vector<1x16xf32>,
      %get3A_23 = vector.shape_cast %get3A_22 : vector<1x16xf32> to vector<16xf32>
      %get3A_24 = arith.constant 3 : i32
      %get3A_25 = arith.index_cast %get3A_24 : i32 to index
      %get3A_26 = arith.index_cast %mul3A_9 : i32 to index
      %get3A_27 = tpu.vector_load %arg6[%get3A_25, %get3A_26] {strides = array<i32>} : memref<8x1024xf32, #tpu.memory_space<vmem>>, vector<1x16xf32>,
      %get3A_28 = vector.shape_cast %get3A_27 : vector<1x16xf32> to vector<16xf32>
      %get3A_29 = arith.constant 4 : i32
      %get3A_30 = arith.index_cast %get3A_29 : i32 to index
      %get3A_31 = arith.index_cast %mul3A_9 : i32 to index
      %get3A_32 = tpu.vector_load %arg6[%get3A_30, %get3A_31] {strides = array<i32>} : memref<8x1024xf32, #tpu.memory_space<vmem>>, vector<1x16xf32>,
      %get3A_33 = vector.shape_cast %get3A_32 : vector<1x16xf32> to vector<16xf32>
      %get3A_34 = arith.constant 5 : i32
      %get3A_35 = arith.index_cast %get3A_34 : i32 to index
      %get3A_36 = arith.index_cast %mul3A_9 : i32 to index
      %get3A_37 = tpu.vector_load %arg6[%get3A_35, %get3A_36] {strides = array<i32>} : memref<8x1024xf32, #tpu.memory_space<vmem>>, vector<1x16xf32>,
      %get3A_38 = vector.shape_cast %get3A_37 : vector<1x16xf32> to vector<16xf32>
      %get3A_39 = arith.constant 6 : i32
      %get3A_40 = arith.index_cast %get3A_39 : i32 to index
      %get3A_41 = arith.index_cast %mul3A_9 : i32 to index
      %get3A_42 = tpu.vector_load %arg6[%get3A_40, %get3A_41] {strides = array<i32>} : memref<8x1024xf32, #tpu.memory_space<vmem>>, vector<1x16xf32>,
      %get3A_43 = vector.shape_cast %get3A_42 : vector<1x16xf32> to vector<16xf32>
      %get3A_44 = arith.constant 7 : i32
      %get3A_45 = arith.index_cast %get3A_44 : i32 to index
      %get3A_46 = arith.index_cast %mul3A_9 : i32 to index
      %get3A_47 = tpu.vector_load %arg6[%get3A_45, %get3A_46] {strides = array<i32>} : memref<8x1024xf32, #tpu.memory_space<vmem>>, vector<1x16xf32>,
      %get3A_48 = vector.shape_cast %get3A_47 : vector<1x16xf32> to vector<16xf32>
      %max3A = arith.maximumf %get3A_13, %get3A_18 : vector<16xf32>
      %max3A_49 = arith.maximumf %max3A, %get3A_23 : vector<16xf32>
      %max3A_50 = arith.maximumf %max3A_49, %get3A_28 : vector<16xf32>
      %max3A_51 = arith.maximumf %max3A_50, %get3A_33 : vector<16xf32>
      %max3A_52 = arith.maximumf %max3A_51, %get3A_38 : vector<16xf32>
      %max3A_53 = arith.maximumf %max3A_52, %get3A_43 : vector<16xf32>
      %max3A_54 = arith.maximumf %max3A_53, %get3A_48 : vector<16xf32>
      %sub3A = arith.subf %get3A_13, %max3A_54 : vector<16xf32>
      %exp3A = math.exp %sub3A : vector<16xf32>
      %sub3A_55 = arith.subf %get3A_18, %max3A_54 : vector<16xf32>
      %exp3A_56 = math.exp %sub3A_55 : vector<16xf32>
      %sub3A_57 = arith.subf %get3A_23, %max3A_54 : vector<16xf32>
      %exp3A_58 = math.exp %sub3A_57 : vector<16xf32>
      %sub3A_59 = arith.subf %get3A_28, %max3A_54 : vector<16xf32>
      %exp3A_60 = math.exp %sub3A_59 : vector<16xf32>
      %sub3A_61 = arith.subf %get3A_33, %max3A_54 : vector<16xf32>
      %exp3A_62 = math.exp %sub3A_61 : vector<16xf32>
      %sub3A_63 = arith.subf %get3A_38, %max3A_54 : vector<16xf32>
      %exp3A_64 = math.exp %sub3A_63 : vector<16xf32>
      %sub3A_65 = arith.subf %get3A_43, %max3A_54 : vector<16xf32>
      %exp3A_66 = math.exp %sub3A_65 : vector<16xf32>
      %sub3A_67 = arith.subf %get3A_48, %max3A_54 : vector<16xf32>
      %exp3A_68 = math.exp %sub3A_67 : vector<16xf32>
      %add3A_69 = arith.addf %exp3A, %exp3A_56 : vector<16xf32>
      %add3A_70 = arith.addf %add3A_69, %exp3A_58 : vector<16xf32>
      %add3A_71 = arith.addf %add3A_70, %exp3A_60 : vector<16xf32>
      %add3A_72 = arith.addf %add3A_71, %exp3A_62 : vector<16xf32>
      %add3A_73 = arith.addf %add3A_72, %exp3A_64 : vector<16xf32>
      %add3A_74 = arith.addf %add3A_73, %exp3A_66 : vector<16xf32>
      %add3A_75 = arith.addf %add3A_74, %exp3A_68 : vector<16xf32>
      %div3A = arith.divf %exp3A, %add3A_75 : vector<16xf32>
      %div3A_76 = arith.divf %exp3A_56, %add3A_75 : vector<16xf32>
      %div3A_77 = arith.divf %exp3A_58, %add3A_75 : vector<16xf32>
      %div3A_78 = arith.divf %exp3A_60, %add3A_75 : vector<16xf32>
      %div3A_79 = arith.divf %exp3A_62, %add3A_75 : vector<16xf32>
      %div3A_80 = arith.divf %exp3A_64, %add3A_75 : vector<16xf32>
      %div3A_81 = arith.divf %exp3A_66, %add3A_75 : vector<16xf32>
      %div3A_82 = arith.divf %exp3A_68, %add3A_75 : vector<16xf32>
      %get3A_83 = arith.constant 0 : i32
      %get3A_84 = arith.index_cast %get3A_83 : i32 to index
      %get3A_85 = arith.constant 0 : index
      %get3A_86 = tpu.vector_load %arg7[%get3A_84, %get3A_85] {strides = array<i32>} : memref<8x16xf32, #tpu.memory_space<vmem>>, vector<1x16xf32>,
      %get3A_87 = vector.shape_cast %get3A_86 : vector<1x16xf32> to vector<16xf32>
      %add3A_88 = arith.addf %div3A, %get3A_87 : vector<16xf32>
      %get3A_89 = arith.constant 1 : i32
      %get3A_90 = arith.index_cast %get3A_89 : i32 to index
      %get3A_91 = arith.constant 0 : index
      %get3A_92 = tpu.vector_load %arg7[%get3A_90, %get3A_91] {strides = array<i32>} : memref<8x16xf32, #tpu.memory_space<vmem>>, vector<1x16xf32>,
      %get3A_93 = vector.shape_cast %get3A_92 : vector<1x16xf32> to vector<16xf32>
      %add3A_94 = arith.addf %div3A_76, %get3A_93 : vector<16xf32>
      %get3A_95 = arith.constant 2 : i32
      %get3A_96 = arith.index_cast %get3A_95 : i32 to index
      %get3A_97 = arith.constant 0 : index
      %get3A_98 = tpu.vector_load %arg7[%get3A_96, %get3A_97] {strides = array<i32>} : memref<8x16xf32, #tpu.memory_space<vmem>>, vector<1x16xf32>,
      %get3A_99 = vector.shape_cast %get3A_98 : vector<1x16xf32> to vector<16xf32>
      %add3A_100 = arith.addf %div3A_77, %get3A_99 : vector<16xf32>
      %get3A_101 = arith.constant 3 : i32
      %get3A_102 = arith.index_cast %get3A_101 : i32 to index
      %get3A_103 = arith.constant 0 : index
      %get3A_104 = tpu.vector_load %arg7[%get3A_102, %get3A_103] {strides = array<i32>} : memref<8x16xf32, #tpu.memory_space<vmem>>, vector<1x16xf32>,
      %get3A_105 = vector.shape_cast %get3A_104 : vector<1x16xf32> to vector<16xf32>
      %add3A_106 = arith.addf %div3A_78, %get3A_105 : vector<16xf32>
      %get3A_107 = arith.constant 4 : i32
      %get3A_108 = arith.index_cast %get3A_107 : i32 to index
      %get3A_109 = arith.constant 0 : index
      %get3A_110 = tpu.vector_load %arg7[%get3A_108, %get3A_109] {strides = array<i32>} : memref<8x16xf32, #tpu.memory_space<vmem>>, vector<1x16xf32>,
      %get3A_111 = vector.shape_cast %get3A_110 : vector<1x16xf32> to vector<16xf32>
      %add3A_112 = arith.addf %div3A_79, %get3A_111 : vector<16xf32>
      %get3A_113 = arith.constant 5 : i32
      %get3A_114 = arith.index_cast %get3A_113 : i32 to index
      %get3A_115 = arith.constant 0 : index
      %get3A_116 = tpu.vector_load %arg7[%get3A_114, %get3A_115] {strides = array<i32>} : memref<8x16xf32, #tpu.memory_space<vmem>>, vector<1x16xf32>,
      %get3A_117 = vector.shape_cast %get3A_116 : vector<1x16xf32> to vector<16xf32>
      %add3A_118 = arith.addf %div3A_80, %get3A_117 : vector<16xf32>
      %get3A_119 = arith.constant 6 : i32
      %get3A_120 = arith.index_cast %get3A_119 : i32 to index
      %get3A_121 = arith.constant 0 : index
      %get3A_122 = tpu.vector_load %arg7[%get3A_120, %get3A_121] {strides = array<i32>} : memref<8x16xf32, #tpu.memory_space<vmem>>, vector<1x16xf32>,
      %get3A_123 = vector.shape_cast %get3A_122 : vector<1x16xf32> to vector<16xf32>
      %add3A_124 = arith.addf %div3A_81, %get3A_123 : vector<16xf32>
      %get3A_125 = arith.constant 7 : i32
      %get3A_126 = arith.index_cast %get3A_125 : i32 to index
      %get3A_127 = arith.constant 0 : index
      %get3A_128 = tpu.vector_load %arg7[%get3A_126, %get3A_127] {strides = array<i32>} : memref<8x16xf32, #tpu.memory_space<vmem>>, vector<1x16xf32>,
      %get3A_129 = vector.shape_cast %get3A_128 : vector<1x16xf32> to vector<16xf32>
      %add3A_130 = arith.addf %div3A_82, %get3A_129 : vector<16xf32>
      %broadcast_in_dim3A = arith.constant 0 : i32
      %broadcast_in_dim3A_131 = vector.broadcast %broadcast_in_dim3A : i32 to vector<16xi32>
      %broadcast_in_dim3A_132 = arith.constant 1 : i32
      %broadcast_in_dim3A_133 = vector.broadcast %broadcast_in_dim3A_132 : i32 to vector<16xi32>
      %broadcast_in_dim3A_134 = arith.constant 2 : i32
      %broadcast_in_dim3A_135 = vector.broadcast %broadcast_in_dim3A_134 : i32 to vector<16xi32>
      %broadcast_in_dim3A_136 = arith.constant 3 : i32
      %broadcast_in_dim3A_137 = vector.broadcast %broadcast_in_dim3A_136 : i32 to vector<16xi32>
      %broadcast_in_dim3A_138 = arith.constant 4 : i32
      %broadcast_in_dim3A_139 = vector.broadcast %broadcast_in_dim3A_138 : i32 to vector<16xi32>
      %broadcast_in_dim3A_140 = arith.constant 5 : i32
      %broadcast_in_dim3A_141 = vector.broadcast %broadcast_in_dim3A_140 : i32 to vector<16xi32>
      %broadcast_in_dim3A_142 = arith.constant 6 : i32
      %broadcast_in_dim3A_143 = vector.broadcast %broadcast_in_dim3A_142 : i32 to vector<16xi32>
      %broadcast_in_dim3A_144 = arith.constant 7 : i32
      %broadcast_in_dim3A_145 = vector.broadcast %broadcast_in_dim3A_144 : i32 to vector<16xi32>
      %max3A_146 = arith.maximumf %add3A_88, %add3A_94 : vector<16xf32>
      %max3A_147 = arith.maximumf %max3A_146, %add3A_100 : vector<16xf32>
      %max3A_148 = arith.maximumf %max3A_147, %add3A_106 : vector<16xf32>
      %max3A_149 = arith.maximumf %max3A_148, %add3A_112 : vector<16xf32>
      %max3A_150 = arith.maximumf %max3A_149, %add3A_118 : vector<16xf32>
      %max3A_151 = arith.maximumf %max3A_150, %add3A_124 : vector<16xf32>
      %max3A_152 = arith.maximumf %max3A_151, %add3A_130 : vector<16xf32>
      %broadcast_in_dim3A_153 = arith.constant 8 : i32
      %broadcast_in_dim3A_154 = vector.broadcast %broadcast_in_dim3A_153 : i32 to vector<16xi32>
      %eq3A = arith.cmpf oeq, %add3A_130, %max3A_152 : vector<16xf32>
      %select_n3A = arith.select %eq3A, %broadcast_in_dim3A_145, %broadcast_in_dim3A_154 : vector<16xi1>, vector<16xi32>
      %eq3A_155 = arith.cmpf oeq, %add3A_124, %max3A_152 : vector<16xf32>
      %select_n3A_156 = arith.select %eq3A_155, %broadcast_in_dim3A_143, %select_n3A : vector<16xi1>, vector<16xi32>
      %eq3A_157 = arith.cmpf oeq, %add3A_118, %max3A_152 : vector<16xf32>
      %select_n3A_158 = arith.select %eq3A_157, %broadcast_in_dim3A_141, %select_n3A_156 : vector<16xi1>, vector<16xi32>
      %eq3A_159 = arith.cmpf oeq, %add3A_112, %max3A_152 : vector<16xf32>
      %select_n3A_160 = arith.select %eq3A_159, %broadcast_in_dim3A_139, %select_n3A_158 : vector<16xi1>, vector<16xi32>
      %eq3A_161 = arith.cmpf oeq, %add3A_106, %max3A_152 : vector<16xf32>
      %select_n3A_162 = arith.select %eq3A_161, %broadcast_in_dim3A_137, %select_n3A_160 : vector<16xi1>, vector<16xi32>
      %eq3A_163 = arith.cmpf oeq, %add3A_100, %max3A_152 : vector<16xf32>
      %select_n3A_164 = arith.select %eq3A_163, %broadcast_in_dim3A_135, %select_n3A_162 : vector<16xi1>, vector<16xi32>
      %eq3A_165 = arith.cmpf oeq, %add3A_94, %max3A_152 : vector<16xf32>
      %select_n3A_166 = arith.select %eq3A_165, %broadcast_in_dim3A_133, %select_n3A_164 : vector<16xi1>, vector<16xi32>
      %eq3A_167 = arith.cmpf oeq, %add3A_88, %max3A_152 : vector<16xf32>
      %select_n3A_168 = arith.select %eq3A_167, %broadcast_in_dim3A_131, %select_n3A_166 : vector<16xi1>, vector<16xi32>
      %broadcast_in_dim3A_169 = arith.constant 0xFF800000 : f32
      %broadcast_in_dim3A_170 = vector.broadcast %broadcast_in_dim3A_169 : f32 to vector<16xf32>
      %eq3A_171 = arith.cmpi eq, %select_n3A_168, %broadcast_in_dim3A_131 : vector<16xi32>
      %select_n3A_172 = arith.select %eq3A_171, %broadcast_in_dim3A_170, %add3A_88 : vector<16xi1>, vector<16xf32>
      %eq3A_173 = arith.cmpi eq, %select_n3A_168, %broadcast_in_dim3A_133 : vector<16xi32>
      %select_n3A_174 = arith.select %eq3A_173, %broadcast_in_dim3A_170, %add3A_94 : vector<16xi1>, vector<16xf32>
      %eq3A_175 = arith.cmpi eq, %select_n3A_168, %broadcast_in_dim3A_135 : vector<16xi32>
      %select_n3A_176 = arith.select %eq3A_175, %broadcast_in_dim3A_170, %add3A_100 : vector<16xi1>, vector<16xf32>
      %eq3A_177 = arith.cmpi eq, %select_n3A_168, %broadcast_in_dim3A_137 : vector<16xi32>
      %select_n3A_178 = arith.select %eq3A_177, %broadcast_in_dim3A_170, %add3A_106 : vector<16xi1>, vector<16xf32>
      %eq3A_179 = arith.cmpi eq, %select_n3A_168, %broadcast_in_dim3A_139 : vector<16xi32>
      %select_n3A_180 = arith.select %eq3A_179, %broadcast_in_dim3A_170, %add3A_112 : vector<16xi1>, vector<16xf32>
      %eq3A_181 = arith.cmpi eq, %select_n3A_168, %broadcast_in_dim3A_141 : vector<16xi32>
      %select_n3A_182 = arith.select %eq3A_181, %broadcast_in_dim3A_170, %add3A_118 : vector<16xi1>, vector<16xf32>
      %eq3A_183 = arith.cmpi eq, %select_n3A_168, %broadcast_in_dim3A_143 : vector<16xi32>
      %select_n3A_184 = arith.select %eq3A_183, %broadcast_in_dim3A_170, %add3A_124 : vector<16xi1>, vector<16xf32>
      %eq3A_185 = arith.cmpi eq, %select_n3A_168, %broadcast_in_dim3A_145 : vector<16xi32>
      %select_n3A_186 = arith.select %eq3A_185, %broadcast_in_dim3A_170, %add3A_130 : vector<16xi1>, vector<16xf32>
      %max3A_187 = arith.maximumf %select_n3A_172, %select_n3A_174 : vector<16xf32>
      %max3A_188 = arith.maximumf %max3A_187, %select_n3A_176 : vector<16xf32>
      %max3A_189 = arith.maximumf %max3A_188, %select_n3A_178 : vector<16xf32>
      %max3A_190 = arith.maximumf %max3A_189, %select_n3A_180 : vector<16xf32>
      %max3A_191 = arith.maximumf %max3A_190, %select_n3A_182 : vector<16xf32>
      %max3A_192 = arith.maximumf %max3A_191, %select_n3A_184 : vector<16xf32>
      %max3A_193 = arith.maximumf %max3A_192, %select_n3A_186 : vector<16xf32>
      %broadcast_in_dim3A_194 = arith.constant 8 : i32
      %broadcast_in_dim3A_195 = vector.broadcast %broadcast_in_dim3A_194 : i32 to vector<16xi32>
      %eq3A_196 = arith.cmpf oeq, %select_n3A_186, %max3A_193 : vector<16xf32>
      %select_n3A_197 = arith.select %eq3A_196, %broadcast_in_dim3A_145, %broadcast_in_dim3A_195 : vector<16xi1>, vector<16xi32>
      %eq3A_198 = arith.cmpf oeq, %select_n3A_184, %max3A_193 : vector<16xf32>
      %select_n3A_199 = arith.select %eq3A_198, %broadcast_in_dim3A_143, %select_n3A_197 : vector<16xi1>, vector<16xi32>
      %eq3A_200 = arith.cmpf oeq, %select_n3A_182, %max3A_193 : vector<16xf32>
      %select_n3A_201 = arith.select %eq3A_200, %broadcast_in_dim3A_141, %select_n3A_199 : vector<16xi1>, vector<16xi32>
      %eq3A_202 = arith.cmpf oeq, %select_n3A_180, %max3A_193 : vector<16xf32>
      %select_n3A_203 = arith.select %eq3A_202, %broadcast_in_dim3A_139, %select_n3A_201 : vector<16xi1>, vector<16xi32>
      %eq3A_204 = arith.cmpf oeq, %select_n3A_178, %max3A_193 : vector<16xf32>
      %select_n3A_205 = arith.select %eq3A_204, %broadcast_in_dim3A_137, %select_n3A_203 : vector<16xi1>, vector<16xi32>
      %eq3A_206 = arith.cmpf oeq, %select_n3A_176, %max3A_193 : vector<16xf32>
      %select_n3A_207 = arith.select %eq3A_206, %broadcast_in_dim3A_135, %select_n3A_205 : vector<16xi1>, vector<16xi32>
      %eq3A_208 = arith.cmpf oeq, %select_n3A_174, %max3A_193 : vector<16xf32>
      %select_n3A_209 = arith.select %eq3A_208, %broadcast_in_dim3A_133, %select_n3A_207 : vector<16xi1>, vector<16xi32>
      %eq3A_210 = arith.cmpf oeq, %select_n3A_172, %max3A_193 : vector<16xf32>
      %select_n3A_211 = arith.select %eq3A_210, %broadcast_in_dim3A_131, %select_n3A_209 : vector<16xi1>, vector<16xi32>
      %broadcast_in_dim3A_212 = arith.constant 0.000000e+00 : f32
      %broadcast_in_dim3A_213 = vector.broadcast %broadcast_in_dim3A_212 : f32 to vector<16xf32>
      %broadcast_in_dim3A_214 = arith.constant 0 : i32
      %broadcast_in_dim3A_215 = vector.broadcast %broadcast_in_dim3A_214 : i32 to vector<16xi32>
      %eq3A_216 = arith.cmpi eq, %select_n3A_168, %broadcast_in_dim3A_131 : vector<16xi32>
      %eq3A_217 = arith.cmpi eq, %select_n3A_211, %broadcast_in_dim3A_131 : vector<16xi32>
      %select_n3A_218 = arith.select %eq3A_216, %div3A, %broadcast_in_dim3A_213 : vector<16xi1>, vector<16xf32>
      %add3A_219 = arith.addf %broadcast_in_dim3A_213, %select_n3A_218 : vector<16xf32>
      %select_n3A_220 = arith.select %eq3A_217, %div3A, %broadcast_in_dim3A_213 : vector<16xi1>, vector<16xf32>
      %add3A_221 = arith.addf %broadcast_in_dim3A_213, %select_n3A_220 : vector<16xf32>
      %or3A = arith.ori %eq3A_216, %eq3A_217 : vector<16xi1>
      %broadcast_in_dim3A_222 = arith.constant 1 : i32
      %broadcast_in_dim3A_223 = vector.broadcast %broadcast_in_dim3A_222 : i32 to vector<16xi32>
      %broadcast_in_dim3A_224 = arith.constant 0 : i32
      %broadcast_in_dim3A_225 = vector.broadcast %broadcast_in_dim3A_224 : i32 to vector<16xi32>
      %select_n3A_226 = arith.select %or3A, %broadcast_in_dim3A_223, %broadcast_in_dim3A_225 : vector<16xi1>, vector<16xi32>
      %or3A_227 = arith.ori %broadcast_in_dim3A_215, %select_n3A_226 : vector<16xi32>
      %eq3A_228 = arith.cmpi eq, %select_n3A_168, %broadcast_in_dim3A_133 : vector<16xi32>
      %eq3A_229 = arith.cmpi eq, %select_n3A_211, %broadcast_in_dim3A_133 : vector<16xi32>
      %select_n3A_230 = arith.select %eq3A_228, %div3A_76, %broadcast_in_dim3A_213 : vector<16xi1>, vector<16xf32>
      %add3A_231 = arith.addf %add3A_219, %select_n3A_230 : vector<16xf32>
      %select_n3A_232 = arith.select %eq3A_229, %div3A_76, %broadcast_in_dim3A_213 : vector<16xi1>, vector<16xf32>
      %add3A_233 = arith.addf %add3A_221, %select_n3A_232 : vector<16xf32>
      %or3A_234 = arith.ori %eq3A_228, %eq3A_229 : vector<16xi1>
      %broadcast_in_dim3A_235 = arith.constant 2 : i32
      %broadcast_in_dim3A_236 = vector.broadcast %broadcast_in_dim3A_235 : i32 to vector<16xi32>
      %broadcast_in_dim3A_237 = arith.constant 0 : i32
      %broadcast_in_dim3A_238 = vector.broadcast %broadcast_in_dim3A_237 : i32 to vector<16xi32>
      %select_n3A_239 = arith.select %or3A_234, %broadcast_in_dim3A_236, %broadcast_in_dim3A_238 : vector<16xi1>, vector<16xi32>
      %or3A_240 = arith.ori %or3A_227, %select_n3A_239 : vector<16xi32>
      %eq3A_241 = arith.cmpi eq, %select_n3A_168, %broadcast_in_dim3A_135 : vector<16xi32>
      %eq3A_242 = arith.cmpi eq, %select_n3A_211, %broadcast_in_dim3A_135 : vector<16xi32>
      %select_n3A_243 = arith.select %eq3A_241, %div3A_77, %broadcast_in_dim3A_213 : vector<16xi1>, vector<16xf32>
      %add3A_244 = arith.addf %add3A_231, %select_n3A_243 : vector<16xf32>
      %select_n3A_245 = arith.select %eq3A_242, %div3A_77, %broadcast_in_dim3A_213 : vector<16xi1>, vector<16xf32>
      %add3A_246 = arith.addf %add3A_233, %select_n3A_245 : vector<16xf32>
      %or3A_247 = arith.ori %eq3A_241, %eq3A_242 : vector<16xi1>
      %broadcast_in_dim3A_248 = arith.constant 4 : i32
      %broadcast_in_dim3A_249 = vector.broadcast %broadcast_in_dim3A_248 : i32 to vector<16xi32>
      %broadcast_in_dim3A_250 = arith.constant 0 : i32
      %broadcast_in_dim3A_251 = vector.broadcast %broadcast_in_dim3A_250 : i32 to vector<16xi32>
      %select_n3A_252 = arith.select %or3A_247, %broadcast_in_dim3A_249, %broadcast_in_dim3A_251 : vector<16xi1>, vector<16xi32>
      %or3A_253 = arith.ori %or3A_240, %select_n3A_252 : vector<16xi32>
      %eq3A_254 = arith.cmpi eq, %select_n3A_168, %broadcast_in_dim3A_137 : vector<16xi32>
      %eq3A_255 = arith.cmpi eq, %select_n3A_211, %broadcast_in_dim3A_137 : vector<16xi32>
      %select_n3A_256 = arith.select %eq3A_254, %div3A_78, %broadcast_in_dim3A_213 : vector<16xi1>, vector<16xf32>
      %add3A_257 = arith.addf %add3A_244, %select_n3A_256 : vector<16xf32>
      %select_n3A_258 = arith.select %eq3A_255, %div3A_78, %broadcast_in_dim3A_213 : vector<16xi1>, vector<16xf32>
      %add3A_259 = arith.addf %add3A_246, %select_n3A_258 : vector<16xf32>
      %or3A_260 = arith.ori %eq3A_254, %eq3A_255 : vector<16xi1>
      %broadcast_in_dim3A_261 = arith.constant 8 : i32
      %broadcast_in_dim3A_262 = vector.broadcast %broadcast_in_dim3A_261 : i32 to vector<16xi32>
      %broadcast_in_dim3A_263 = arith.constant 0 : i32
      %broadcast_in_dim3A_264 = vector.broadcast %broadcast_in_dim3A_263 : i32 to vector<16xi32>
      %select_n3A_265 = arith.select %or3A_260, %broadcast_in_dim3A_262, %broadcast_in_dim3A_264 : vector<16xi1>, vector<16xi32>
      %or3A_266 = arith.ori %or3A_253, %select_n3A_265 : vector<16xi32>
      %eq3A_267 = arith.cmpi eq, %select_n3A_168, %broadcast_in_dim3A_139 : vector<16xi32>
      %eq3A_268 = arith.cmpi eq, %select_n3A_211, %broadcast_in_dim3A_139 : vector<16xi32>
      %select_n3A_269 = arith.select %eq3A_267, %div3A_79, %broadcast_in_dim3A_213 : vector<16xi1>, vector<16xf32>
      %add3A_270 = arith.addf %add3A_257, %select_n3A_269 : vector<16xf32>
      %select_n3A_271 = arith.select %eq3A_268, %div3A_79, %broadcast_in_dim3A_213 : vector<16xi1>, vector<16xf32>
      %add3A_272 = arith.addf %add3A_259, %select_n3A_271 : vector<16xf32>
      %or3A_273 = arith.ori %eq3A_267, %eq3A_268 : vector<16xi1>
      %broadcast_in_dim3A_274 = arith.constant 16 : i32
      %broadcast_in_dim3A_275 = vector.broadcast %broadcast_in_dim3A_274 : i32 to vector<16xi32>
      %broadcast_in_dim3A_276 = arith.constant 0 : i32
      %broadcast_in_dim3A_277 = vector.broadcast %broadcast_in_dim3A_276 : i32 to vector<16xi32>
      %select_n3A_278 = arith.select %or3A_273, %broadcast_in_dim3A_275, %broadcast_in_dim3A_277 : vector<16xi1>, vector<16xi32>
      %or3A_279 = arith.ori %or3A_266, %select_n3A_278 : vector<16xi32>
      %eq3A_280 = arith.cmpi eq, %select_n3A_168, %broadcast_in_dim3A_141 : vector<16xi32>
      %eq3A_281 = arith.cmpi eq, %select_n3A_211, %broadcast_in_dim3A_141 : vector<16xi32>
      %select_n3A_282 = arith.select %eq3A_280, %div3A_80, %broadcast_in_dim3A_213 : vector<16xi1>, vector<16xf32>
      %add3A_283 = arith.addf %add3A_270, %select_n3A_282 : vector<16xf32>
      %select_n3A_284 = arith.select %eq3A_281, %div3A_80, %broadcast_in_dim3A_213 : vector<16xi1>, vector<16xf32>
      %add3A_285 = arith.addf %add3A_272, %select_n3A_284 : vector<16xf32>
      %or3A_286 = arith.ori %eq3A_280, %eq3A_281 : vector<16xi1>
      %broadcast_in_dim3A_287 = arith.constant 32 : i32
      %broadcast_in_dim3A_288 = vector.broadcast %broadcast_in_dim3A_287 : i32 to vector<16xi32>
      %broadcast_in_dim3A_289 = arith.constant 0 : i32
      %broadcast_in_dim3A_290 = vector.broadcast %broadcast_in_dim3A_289 : i32 to vector<16xi32>
      %select_n3A_291 = arith.select %or3A_286, %broadcast_in_dim3A_288, %broadcast_in_dim3A_290 : vector<16xi1>, vector<16xi32>
      %or3A_292 = arith.ori %or3A_279, %select_n3A_291 : vector<16xi32>
      %eq3A_293 = arith.cmpi eq, %select_n3A_168, %broadcast_in_dim3A_143 : vector<16xi32>
      %eq3A_294 = arith.cmpi eq, %select_n3A_211, %broadcast_in_dim3A_143 : vector<16xi32>
      %select_n3A_295 = arith.select %eq3A_293, %div3A_81, %broadcast_in_dim3A_213 : vector<16xi1>, vector<16xf32>
      %add3A_296 = arith.addf %add3A_283, %select_n3A_295 : vector<16xf32>
      %select_n3A_297 = arith.select %eq3A_294, %div3A_81, %broadcast_in_dim3A_213 : vector<16xi1>, vector<16xf32>
      %add3A_298 = arith.addf %add3A_285, %select_n3A_297 : vector<16xf32>
      %or3A_299 = arith.ori %eq3A_293, %eq3A_294 : vector<16xi1>
      %broadcast_in_dim3A_300 = arith.constant 64 : i32
      %broadcast_in_dim3A_301 = vector.broadcast %broadcast_in_dim3A_300 : i32 to vector<16xi32>
      %broadcast_in_dim3A_302 = arith.constant 0 : i32
      %broadcast_in_dim3A_303 = vector.broadcast %broadcast_in_dim3A_302 : i32 to vector<16xi32>
      %select_n3A_304 = arith.select %or3A_299, %broadcast_in_dim3A_301, %broadcast_in_dim3A_303 : vector<16xi1>, vector<16xi32>
      %or3A_305 = arith.ori %or3A_292, %select_n3A_304 : vector<16xi32>
      %eq3A_306 = arith.cmpi eq, %select_n3A_168, %broadcast_in_dim3A_145 : vector<16xi32>
      %eq3A_307 = arith.cmpi eq, %select_n3A_211, %broadcast_in_dim3A_145 : vector<16xi32>
      %select_n3A_308 = arith.select %eq3A_306, %div3A_82, %broadcast_in_dim3A_213 : vector<16xi1>, vector<16xf32>
      %add3A_309 = arith.addf %add3A_296, %select_n3A_308 : vector<16xf32>
      %select_n3A_310 = arith.select %eq3A_307, %div3A_82, %broadcast_in_dim3A_213 : vector<16xi1>, vector<16xf32>
      %add3A_311 = arith.addf %add3A_298, %select_n3A_310 : vector<16xf32>
      %or3A_312 = arith.ori %eq3A_306, %eq3A_307 : vector<16xi1>
      %broadcast_in_dim3A_313 = arith.constant 128 : i32
      %broadcast_in_dim3A_314 = vector.broadcast %broadcast_in_dim3A_313 : i32 to vector<16xi32>
      %broadcast_in_dim3A_315 = arith.constant 0 : i32
      %broadcast_in_dim3A_316 = vector.broadcast %broadcast_in_dim3A_315 : i32 to vector<16xi32>
      %select_n3A_317 = arith.select %or3A_312, %broadcast_in_dim3A_314, %broadcast_in_dim3A_316 : vector<16xi1>, vector<16xi32>
      %or3A_318 = arith.ori %or3A_305, %select_n3A_317 : vector<16xi32>
      %add3A_319 = arith.addf %add3A_309, %add3A_311 : vector<16xf32>
      %add3A_320 = arith.constant 9.99999971E-10 : f32
      %add3A_321 = vector.broadcast %add3A_320 : f32 to vector<16xf32>
      %add3A_322 = arith.addf %add3A_319, %add3A_321 : vector<16xf32>
      %div3A_323 = arith.divf %add3A_309, %add3A_322 : vector<16xf32>
      %swap3A = arith.index_cast %mul3A_9 : i32 to index
      %swap3A_324 = tpu.vector_load %arg8[%swap3A] {strides = array<i32>} : memref<1024xf32, #tpu.memory_space<vmem>>, vector<16xf32>,
      %swap3A_325 = vector.shape_cast %swap3A_324 : vector<16xf32> to vector<16xf32>
      %swap3A_326 = vector.shape_cast %div3A_323 : vector<16xf32> to vector<16xf32>
      tpu.vector_store %arg8[%swap3A], %swap3A_326 {strides = array<i32>} : memref<1024xf32, #tpu.memory_space<vmem>>, vector<16xf32>,
      %shift_left3A = arith.constant 3 : i32
      %shift_left3A_327 = vector.broadcast %shift_left3A : i32 to vector<16xi32>
      %shift_left3A_328 = arith.shli %select_n3A_211, %shift_left3A_327 : vector<16xi32>
      %or3A_329 = arith.ori %select_n3A_168, %shift_left3A_328 : vector<16xi32>
      %shift_left3A_330 = arith.constant 6 : i32
      %shift_left3A_331 = vector.broadcast %shift_left3A_330 : i32 to vector<16xi32>
      %shift_left3A_332 = arith.shli %or3A_318, %shift_left3A_331 : vector<16xi32>
      %or3A_333 = arith.ori %or3A_329, %shift_left3A_332 : vector<16xi32>
      %swap3A_334 = arith.index_cast %mul3A_9 : i32 to index
      %swap3A_335 = tpu.vector_load %arg9[%swap3A_334] {strides = array<i32>} : memref<1024xi32, #tpu.memory_space<vmem>>, vector<16xi32>,
      %swap3A_336 = vector.shape_cast %swap3A_335 : vector<16xi32> to vector<16xi32>
      %swap3A_337 = vector.shape_cast %or3A_333 : vector<16xi32> to vector<16xi32>
      tpu.vector_store %arg9[%swap3A_334], %swap3A_337 {strides = array<i32>} : memref<1024xi32, #tpu.memory_space<vmem>>, vector<16xi32>,
    }
    %scan3A_6 = arith.constant 64 : i32
    "tpu.region"() ({
      %run_scoped3A = tpu.sem_alloc : memref<!tpu.dma_semaphore, #tpu.memory_space<semaphore_mem>>
      %dma_start3A = tpu.memref_slice %arg4[%mul3A_2] : memref<32768xf32, #tpu.memory_space<hbm>> -> memref<1024xf32, #tpu.memory_space<hbm>>
      %dma_start3A_7 = tpu.memref_slice %arg4[%mul3A_2] : memref<32768xf32, #tpu.memory_space<hbm>> -> memref<1024xf32, #tpu.memory_space<hbm>>
      tpu.enqueue_dma source(%arg8 : memref<1024xf32, #tpu.memory_space<vmem>>) target(%dma_start3A_7 : memref<1024xf32, #tpu.memory_space<hbm>>) target_semaphore(%run_scoped3A : memref<!tpu.dma_semaphore, #tpu.memory_space<semaphore_mem>>)
      %dma_wait3A = tpu.memref_slice %arg4[%mul3A_2] : memref<32768xf32, #tpu.memory_space<hbm>> -> memref<1024xf32, #tpu.memory_space<hbm>>
      %dma_wait3A_8 = tpu.memref_slice %arg4[%mul3A_2] : memref<32768xf32, #tpu.memory_space<hbm>> -> memref<1024xf32, #tpu.memory_space<hbm>>
      tpu.wait_dma2 semaphore(%run_scoped3A : memref<!tpu.dma_semaphore, #tpu.memory_space<semaphore_mem>>) src(%arg8 : memref<1024xf32, #tpu.memory_space<vmem>>) dst(%dma_wait3A_8 : memref<1024xf32, #tpu.memory_space<hbm>>)
      tpu.yield
    }) : () -> ()
    "tpu.region"() ({
      %run_scoped3A = tpu.sem_alloc : memref<!tpu.dma_semaphore, #tpu.memory_space<semaphore_mem>>
      %dma_start3A = tpu.memref_slice %arg5[%mul3A_2] : memref<32768xi32, #tpu.memory_space<hbm>> -> memref<1024xi32, #tpu.memory_space<hbm>>
      %dma_start3A_7 = tpu.memref_slice %arg5[%mul3A_2] : memref<32768xi32, #tpu.memory_space<hbm>> -> memref<1024xi32, #tpu.memory_space<hbm>>
      tpu.enqueue_dma source(%arg9 : memref<1024xi32, #tpu.memory_space<vmem>>) target(%dma_start3A_7 : memref<1024xi32, #tpu.memory_space<hbm>>) target_semaphore(%run_scoped3A : memref<!tpu.dma_semaphore, #tpu.memory_space<semaphore_mem>>)
      %dma_wait3A = tpu.memref_slice %arg5[%mul3A_2] : memref<32768xi32, #tpu.memory_space<hbm>> -> memref<1024xi32, #tpu.memory_space<hbm>>
      %dma_wait3A_8 = tpu.memref_slice %arg5[%mul3A_2] : memref<32768xi32, #tpu.memory_space<hbm>> -> memref<1024xi32, #tpu.memory_space<hbm>>
      tpu.wait_dma2 semaphore(%run_scoped3A : memref<!tpu.dma_semaphore, #tpu.memory_space<semaphore_mem>>) src(%arg9 : memref<1024xi32, #tpu.memory_space<vmem>>) dst(%dma_wait3A_8 : memref<1024xi32, #tpu.memory_space<hbm>>)
      tpu.yield
    }) : () -> ()
    return
  }
}

module attributes {stable_mosaic.version = 14 : i64} {
  func.func @_logits_kernel(%arg0: i32, %arg1: memref<1024x2048xf32, #tpu.memory_space<vmem>>, %arg2: memref<8x2048xf32, #tpu.memory_space<vmem>>, %arg3: memref<8x1024xf32, #tpu.memory_space<vmem>>) attributes {dimension_semantics = [#tpu.dimension_semantics<arbitrary>], iteration_bounds = array<i64: 32>, scalar_prefetch = 0 : i64, scratch_operands = 0 : i64, tpu.core_type = #tpu.core_type<tc>, window_params = [{transform_indices = @transform_0, window_bounds = array<i64: 1024, 2048>}, {pipeline_mode = #tpu.pipeline_mode<synchronous>, transform_indices = @transform_1, window_bounds = array<i64: 8, 2048>}, {transform_indices = @transform_2, window_bounds = array<i64: 8, 1024>}]} {
    %get3A = arith.constant 0 : index
    %get3A_0 = arith.constant 0 : index
    %get3A_1 = vector.load %arg1[%get3A, %get3A_0] : memref<1024x2048xf32, #tpu.memory_space<vmem>>, vector<1024x2048xf32>
    %get3A_2 = arith.constant 0 : index
    %get3A_3 = arith.constant 0 : index
    %get3A_4 = vector.load %arg2[%get3A_2, %get3A_3] : memref<8x2048xf32, #tpu.memory_space<vmem>>, vector<8x2048xf32>
    %convert_element_type3A = arith.truncf %get3A_1 : vector<1024x2048xf32> to vector<1024x2048xbf16>
    %convert_element_type3A_5 = arith.truncf %get3A_4 : vector<8x2048xf32> to vector<8x2048xbf16>
    %dot_general3A = arith.constant dense<0.000000e+00> : vector<1024x8xf32>
    %dot_general3A_6 = tpu.matmul %convert_element_type3A, %convert_element_type3A_5, %dot_general3A {dimension_numbers = #tpu.dot_dimension_numbers<[1], [1], [0], [0], [0, 0, 1, 0], [], []>, transpose_lhs_hint = false} : vector<1024x2048xbf16>, vector<8x2048xbf16>, vector<1024x8xf32> -> vector<1024x8xf32>
    %transpose3A = tpu.transpose %dot_general3A_6, [1, 0] : vector<1024x8xf32> -> vector<8x1024xf32>
    %swap3A = arith.constant 0 : index
    %swap3A_7 = arith.constant 0 : index
    %swap3A_8 = vector.load %arg3[%swap3A, %swap3A_7] : memref<8x1024xf32, #tpu.memory_space<vmem>>, vector<8x1024xf32>
    tpu.vector_store %arg3[%swap3A, %swap3A_7], %transpose3A {strides = array<i32>} : memref<8x1024xf32, #tpu.memory_space<vmem>>, vector<8x1024xf32>,
    return
  }
  func.func @transform_0(%arg0: i32) -> (i32, i32) {
    %c0_i32 = arith.constant 0 : i32
    %c0_i32_0 = arith.constant 0 : i32
    return %arg0, %c0_i32 : i32, i32
  }
  func.func @transform_1(%arg0: i32) -> (i32, i32) {
    %c0_i32 = arith.constant 0 : i32
    %c0_i32_0 = arith.constant 0 : i32
    %c0_i32_1 = arith.constant 0 : i32
    return %c0_i32, %c0_i32_0 : i32, i32
  }
  func.func @transform_2(%arg0: i32) -> (i32, i32) {
    %c0_i32 = arith.constant 0 : i32
    %c0_i32_0 = arith.constant 0 : i32
    return %c0_i32, %arg0 : i32, i32
  }
}

</mosaic_0001>

<sc_bundles>
// kernel: kernel.4.cloned.1.call-start
scs
__scs_entry_jumppad:
0x0: {  	(pc) =	sbr.rel $0x88, $3  }
0x1: {  	(tag) =	ssettag $0x0;
	lr =	simm.s32 $0x1  }
0x2: {  	[smem:$0x3F9E] =	sst lr;
	_ =	strace $0xD0000000  }
0x3: {  	_ = 	snop  }
0x4: {  	_ = 	snop  }
0x5: {  	_ = 	snop  }
0x6: {  	_ = 	snop  }
0x7: {  	_ = 	snop  }
__scs_overlays_trampoline_lowered:
0x8: {  	[smem:$0x3FAD] =	sst s0  }
0x9: {  	[smem:$0x3FAE] =	sst s1  }
0xa: {  	[smem:$0x3FAF] =	sst s2  }
0xb: {  	[smem:$0x3FB0] =	sst s3  }
0xc: {  	[smem:$0x3FB1] =	sst s4  }
0xd: {  	[smem:$0x3FB2] =	sst s5  }
0xe: {  	[smem:$0x3FB3] =	sst s6  }
0xf: {  	[smem:$0x3FB4] =	sst s7  }
0x10: {  	[smem:$0x3FB5] =	sst s8  }
0x11: {  	[smem:$0x3FB6] =	sst s9;
	s0 =	simm.s32 @!p0 $0x0  }
0x12: {  	s1 =	sld [smem:$0x3F9C];
	s0 =	simm.s32 @p0 $0x1  }
0x13: {  	[smem:$0x3FB7] =	sst s0;
	s0 =	simm.s32 @!p1 $0x0  }
0x14: {  	s2 =	sld [smem:$0x3F9B];
	s0 =	simm.s32 @p1 $0x1  }
0x15: {  	[smem:$0x3FB8] =	sst s0;
	s0 =	simm.s32 @!p2 $0x0  }
0x16: {  	s3 =	sld [smem:$0x3FDB];
	s0 =	simm.s32 @p2 $0x1  }
0x17: {  	s4 =	simm.s32 $0x1BF5;
	[smem:$0x3FBA] =	sst s0  }
0x18: {  	s0 =	sld [smem:$0x3F9D];
	_ =	swait.ge [sflag:s4], $0x0  }
0x19: {  	s7 =	sld [smem:$0x3F9E]  }
0x1a: {  	s8 =	sadd.s32 $0xFFFFE003, lr  }
0x1b: {  	s9 =	sadd.s32 $0xFFFFFEF7, lr;
	s5 =	simm.s32 $0xFFFFFFFF;
	p2 =	slt.u32 s8, $0xFFFFF086  }
0x1c: {  	p1 =	slt.u32 s9, $0xF7A;
	s5 =	simm.s32 @!p2 $0x0  }
0x1d: {  	s5 =	simm.s32 @p1 $0x1;
	p0 =	seq.s32 s7, s2  }
0x1e: {  	s7 =	smul.u32 @!p0 $0xF7A, s2;
	p2 =	seq.s32 @!p0 s5, $0x0  }
0x1f: {  	s9 =	smul.u32 $0xF7A, s1;
	s8 =	simm.s32 @!p0 $0x1BF5;
	p2 =	por !p2, p0  }
0x20: {  	[sflag:s8] =	ssyncset.s32 @!p0 $0xFFFFF086;
	s6 =	sadd.s32 @!p0 s3, s7;
	s7 =	simm.s32 @!p0 $0x108  }
0x21: {  	s3 =	sadd.s32 s3, s9;
	s6 =	sadd.s32 @!p0 $0x88, s6;
	s7 =	simm.s32 @p2 $0x1082  }
0x22: {  	[simem:s7], [sflag:s8] =	dma.local @!p0 [hbm:s6], $0xF7A  }
0x23: {  	s9 =	sor.u32 $0xD0000000, s2;
	s6 =	simm.s32 $0x108;
	_ =	swait.ge @!p0 [sflag:s8], $0x0  }
0x24: {  	s3 =	sadd.s32 $0x88, s3;
	s6 =	simm.s32 @!p1 $0x1082;
	[sflag:s4] =	ssyncset.s32 $0xFFFFF086  }
0x25: {  	[simem:s6], [sflag:s4] =	dma.local [hbm:s3], $0xF7A  }
0x26: {  	[smem:$0x3F9E] =	sst s1;
	(tag) =	ssettag s2;
	_ =	strace s9  }
0x27: {  	s1 =	sld [smem:$0x3FAE]  }
0x28: {  	s2 =	sld [smem:$0x3FAF]  }
0x29: {  	s4 =	sld [smem:$0x3FB1]  }
0x2a: {  	p0 =	seq.s32 s5, $0x0;
	s5 =	sld [smem:$0x3FB2]  }
0x2b: {  	s6 =	sld [smem:$0x3FB3]  }
0x2c: {  	s7 =	sld [smem:$0x3FB4]  }
0x2d: {  	s3 =	simm.s32 $0x108;
	s8 =	sld [smem:$0x3FB5]  }
0x2e: {  	s3 =	simm.s32 @!p0 $0x1082;
	s9 =	sld [smem:$0x3FB6]  }
0x2f: {  	lr =	sadd.s32 s0, s3;
	s0 =	sld [smem:$0x3FAD]  }
0x30: {  	s3 =	sld [smem:$0x3FB0]  }
0x31: {  	[smem:$0x3FB9] =	sst s10  }
0x32: {  	s10 =	sld [smem:$0x3FB7];
	_ =	sdelay $0x3  }
0x33: {  	p0 =	seq.s32 s10, $0x1;
	s10 =	sld [smem:$0x3FB9];
	_ =	sdelay $0x3  }
0x34: {  	[smem:$0x3FB9] =	sst s10  }
0x35: {  	s10 =	sld [smem:$0x3FB8];
	_ =	sdelay $0x3  }
0x36: {  	p1 =	seq.s32 s10, $0x1;
	s10 =	sld [smem:$0x3FB9];
	_ =	sdelay $0x3  }
0x37: {  	[smem:$0x3FB9] =	sst s10  }
0x38: {  	s10 =	sld [smem:$0x3FBA]  }
0x39: {  	_ = 	snop;
	(pc) =	sbr.ind lr, $3  }
0x3a: {  	_ = 	snop  }
0x3b: {  	_ = 	snop  }
0x3c: {  	p2 =	seq.s32 s10, $0x1;
	s10 =	sld [smem:$0x3FB9]  }
0x3d: {  	_ =	shalt  }
0x3e: {  	_ =	shalt  }
0x3f: {  	_ =	shalt  }
0x40: {  	_ =	shalt  }
0x41: {  	_ =	shalt  }
0x42: {  	_ =	shalt  }
0x43: {  	_ =	shalt  }
0x44: {  	_ =	shalt  }
0x45: {  	_ =	shalt  }
0x46: {  	_ =	shalt  }
0x47: {  	_ =	shalt  }
0x48: {  	_ =	shalt  }
0x49: {  	_ =	shalt  }
0x4a: {  	_ =	shalt  }
0x4b: {  	_ =	shalt  }
0x4c: {  	_ =	shalt  }
0x4d: {  	_ =	shalt  }
0x4e: {  	_ =	shalt  }
0x4f: {  	_ =	shalt  }
0x50: {  	_ =	shalt  }
0x51: {  	_ =	shalt  }
0x52: {  	_ =	shalt  }
0x53: {  	_ =	shalt  }
0x54: {  	_ =	shalt  }
0x55: {  	_ =	shalt  }
0x56: {  	_ =	shalt  }
0x57: {  	_ =	shalt  }
0x58: {  	_ =	shalt  }
0x59: {  	_ =	shalt  }
0x5a: {  	_ =	shalt  }
0x5b: {  	_ =	shalt  }
0x5c: {  	_ =	shalt  }
0x5d: {  	_ =	shalt  }
0x5e: {  	_ =	shalt  }
0x5f: {  	_ =	shalt  }
0x60: {  	_ =	shalt  }
0x61: {  	_ =	shalt  }
0x62: {  	_ =	shalt  }
0x63: {  	_ =	shalt  }
0x64: {  	_ =	shalt  }
0x65: {  	_ =	shalt  }
0x66: {  	_ =	shalt  }
0x67: {  	_ =	shalt  }
0x68: {  	_ =	shalt  }
0x69: {  	_ =	shalt  }
0x6a: {  	_ =	shalt  }
0x6b: {  	_ =	shalt  }
0x6c: {  	_ =	shalt  }
0x6d: {  	_ =	shalt  }
0x6e: {  	_ =	shalt  }
0x6f: {  	_ =	shalt  }
0x70: {  	_ =	shalt  }
0x71: {  	_ =	shalt  }
0x72: {  	_ =	shalt  }
0x73: {  	_ =	shalt  }
0x74: {  	_ =	shalt  }
0x75: {  	_ =	shalt  }
0x76: {  	_ =	shalt  }
0x77: {  	_ =	shalt  }
0x78: {  	_ =	shalt  }
0x79: {  	_ =	shalt  }
0x7a: {  	_ =	shalt  }
0x7b: {  	_ =	shalt  }
0x7c: {  	_ =	shalt  }
0x7d: {  	_ =	shalt  }
0x7e: {  	_ =	shalt  }
0x7f: {  	_ =	shalt  }
0x80: {  	_ =	shalt  }
0x81: {  	_ =	shalt  }
0x82: {  	_ =	shalt  }
0x83: {  	_ =	shalt  }
0x84: {  	_ =	shalt  }
0x85: {  	_ =	shalt  }
0x86: {  	_ =	shalt  }
0x87: {  	_ =	shalt  }
.Lfunc_end0:
.L_simem_size_0:
called_computation_lowered:
.L_overlay_start_0:
0x88: {  	s2 =	sld [smem:$0x3FD9]  }
0x89: {  	s3 =	sld [smem:$0x3FFE];
	_ =	sdelay $0x1  }
0x8a: {  	s1 =	srdreg.scid  }
0x8b: {  	s0 =	sand.u32 $0x1, s1  }
0x8c: {  	s14 =	sshll.u32 s0, $0xA;
	s2 =	sadd.s32 s3, s2  }
0x8d: {  	s2 =	sadd.s32 s2, s14  }
0x8e: {  	[smem:$0x3FC5] =	sst s2  }
0x8f: {  	_ = 	snop  }
0x90: {  	s2 =	sld [smem:$0x3FD0];
	_ =	sdelay $0x2  }
0x91: {  	s15 =	simm.s32 $0xA;
	s4 =	simm.s32 $0x10  }
0x92: {  	[smem:s4], [sflag:s15] =	dma.local [hbm:s2], $0x1  }
0x93: {  	_ =	swait.eq [sflag:s15], $0x1  }
0x94: {  	[sflag:s15] =	ssyncset.done $0x0  }
0x95: {  	s16 =	sld [smem:$0x11];
	[sflag:s15] =	ssyncadd.s32 $0xFFFFFFFF  }
0x96: {  	s17 =	sld [smem:$0x12];
	(tm) =	ssettm $0x1  }
0x97: {  	s18 =	sld [smem:$0x3FFB];
	_ =	sdelay $0x3  }
0x98: {  	_ =	strace s18  }
0x99: {  	s4 =	sld [smem:$0x3FFC];
	_ =	sdelay $0x3  }
0x9a: {  	_ =	strace s4  }
0x9b: {  	s4 =	sld [smem:$0x3FFD];
	_ =	sdelay $0x3  }
0x9c: {  	_ =	strace s4  }
0x9d: {  	_ =	strace $0x8FFFFFFF  }
0x9e: {  	s19 =	sld [smem:$0x3FDB];
	_ =	sdelay $0x1  }
0x9f: {  	s5 =	simm.s32 $_scs_section_size  }
0xa0: {  	s6 =	simm.s32 $_size__tile_overlayer_lowered;
	s7 =	simm.s32 $_tile_overlayer_lowered  }
0xa1: {  	s22 =	simm.s32 $0x1BFF;
	s21 =	sshll.u32 s7, $0x1;
	s4 =	sadd.s32 s5, s19  }
0xa2: {  	s8 =	simm.s32 $0x0;
	s20 =	sshll.u32 s6, $0x1;
	s6 =	sadd.s32 s21, s4  }
0xa3: {  	[timem:s8], [sflag:s22] =	dma.local [hbm:s6], s20  }
0xa4: {  	_ =	swait.ge [sflag:s22], s20  }
0xa5: {  	s5 =	ssub.s32 $0x0, s20;
	[sflag:s22] =	ssyncset.done $0x0  }
0xa6: {  	[sflag:s22] =	ssyncadd.s32 s5;
	_ =	sdelay $0x1  }
0xa7: {  	s23 =	simm.s32 $0x1B8B  }
0xa8: {  	_ =	swait.ge [sflag:s23], $0x1  }
0xa9: {  	[sflag:s23] =	ssyncset.done $0x0  }
0xaa: {  	s25 =	simm.s32 $0x1B8E;
	s24 =	sld [smem:$0x3FFE];
	[sflag:s23] =	ssyncadd.s32 $0xFFFFFFFF  }
0xab: {  	s26 =	simm.s32 $execute0_lowered;
	[smem:$0x3FD2] =	sst s25  }
0xac: {  	s6 =	sshll.u32 s26, $0x1;
	_ =	strace $0x80000046;
	[dreg:$0x1] =	wrdreg $0xFFFFFFFF  }
0xad: {  	s28 =	simm.s32 $_size_execute0_lowered;
	s4 =	sadd.s32 s4, s6;
	[dreg:$0x0] =	wrdreg $0x0  }
0xae: {  	s6 =	sshll.u32 s28, $0x1;
	[dreg:$0x2] =	wrdreg s4  }
0xaf: {  	[dreg:$0x3] =	wrdreg s6  }
0xb0: {  	[dreg:$0x4] =	wrdreg $0xC0  }
0xb1: {  	_ =	task [dreg:s8], $0x5FFFF  }
0xb2: {  	[dreg:$0x1] =	wrdreg $0xFFFFFFFF  }
0xb3: {  	[dreg:$0x0] =	wrdreg $0x60  }
0xb4: {  	[dreg:$0x2] =	wrdreg s24  }
0xb5: {  	[dreg:$0x3] =	wrdreg s17  }
0xb6: {  	[dreg:$0x4] =	wrdreg s16  }
0xb7: {  	[dreg:$0x5] =	wrdreg $0x9  }
0xb8: {  	_ =	task.clear_ibuf [dreg:s8], $0x6FFFF;
	_ =	strace $0x90000046  }
0xb9: {  	s29 =	simm.s32 $0x9;
	_ =	strace $0x80000048  }
0xba: {  	_ =	swait.ge [sflag:s29], $0x1  }
0xbb: {  	[sflag:s29] =	ssyncadd.s32 $0xFFFFFFFF  }
0xbc: {  	_ =	strace $0x90000048  }
0xbd: {  	_ =	sfence  }
0xbe: {  	s30 =	sld [smem:$0x0];
	_ =	sdelay $0x2  }
0xbf: {  	s31 =	sshll.u32 s1, $0xD;
	s1 =	sshrl.u32 s1, $0x2  }
0xc0: {  	s3 =	sand.u32 $0x4000, s31;
	s1 =	sadd.s32 s1, s30  }
0xc1: {  	s0 =	sor.u32 s3, s0;
	s1 =	sshll.u32 s1, $0x11  }
0xc2: {  	s0 =	sor.u32 s1, s0  }
0xc3: {  	s0 =	sadd.s32 $0x8F2B, s0  }
0xc4: {  	[sflag:s0] =	ssyncadd.remote.s32 $0x1  }
0xc5: {  	_ =	sfence.sel $0xFFFF  }
0xc6: {  	[dreg:$0x0] =	wrdreg $0xFFFFFFFF;
	(pc) =	sbr.abs _section_cstart, $3  }
0xc7: {  	[dreg:$0x1] =	wrdreg $0xFFFFFFFF  }
0xc8: {  	_ =	task.clear_ibuf [dreg:s8], $0x2FFFF;
	_ =	strace $0x9FFFFFFF  }
0xc9: {  	(tm) =	ssettm $0x7FFFFFFF  }
tec
execute0_lowered:
.L_overlay_start_1:
0x0: {  	(tag) =	ssettag $0x1  }
0x1: {  	s4 =	rddreg [dreg:$0x0]  }
0x2: {  	s2 =	rddreg [dreg:$0x1]  }
0x3: {  	s6 =	rddreg [dreg:$0x2];
	s3 =	srdreg.scid  }
0x4: {  	s0 =	rddreg [dreg:$0x3];
	s1 =	stileid.u32;
	s11 =	simm.s32 $0x2800  }
0x5: {  	s12 =	simm.s32 $0x0;
	s5 =	sand.u32 $0x1, s3;
	s3 =	simm.s32 $0x0  }
0x6: {  	s7 =	sshll.u32 s1, $0xB;
	s8 =	sshll.u32 s5, $0xA;
	[smem:$0x7FF] =	sst s3  }
0x7: {  	s5 =	ssub.s32 $0x2, s5;
	s7 =	sor.u32 s8, s7;
	_ =	strace $0x80000047  }
0x8: {  	s9 =	sshrl.u32 s5, $0x1;
	s8 =	sshrl.u32 s7, $0x3;
	s7 =	sadd.s32 s7, s4  }
0x9: {  	s9 =	ssub.s32 s5, s9;
	s10 =	sadd.s32 s8, s4;
	s4 =	sadd.s32 $0x1000, s7  }
0xa: {  	s6 =	sadd.s32 s6, s8;
	s7 =	smax.u32 s9, $0x1;
	s8 =	simm.s32 $0x1  }
0xb: {  	v0 =	vimm.s32 $0x8;
	v1 =	vimm.s32 $0x0;
	s9 =	simm.s32 $0x2000;
	s5 =	sadd.s32 $0x9000, s10;
	s10 =	simm.s32 $0x2400  }
.LBB2_1:
0xc: {  	[tilespmem:s3], [sflag:$0x1] =	stream.linear.gather [hbm4b:s4+s3], $0x2000, $0x38;
	[tilespmem:$0x2C00] =	vst v63  }
0xd: {  	_ =	swait.ge [sflag:s8], $0x2000  }
0xe: {  	[sflag:s8] =	ssyncset.done $0x0  }
0xf: {  	[sflag:s8] =	ssyncadd.s32 $0xFFFFE000  }
0x10: {  	[tilespmem:s9], [sflag:$0x1] =	stream.linear.gather [hbm4b:s2+s3], $0x400, $0x38;
	[tilespmem:$0x2C00] =	vst v63  }
0x11: {  	_ =	swait.ge [sflag:s8], $0x400  }
0x12: {  	s13 =	sand.u32 $0x70, s3;
	s14 =	sand.u32 $0x1C00, s3;
	[sflag:s8] =	ssyncset.done $0x0  }
0x13: {  	s13 =	sor.u32 s13, s14;
	[sflag:s8] =	ssyncadd.s32 $0xFFFFFC00  }
0x14: {  	v2 =	vld [tilespmem:s13+$0x0]  }
0x15: {  	v3 =	vld [tilespmem:s13+$0x80]  }
0x16: {  	v4 =	vld [tilespmem:s13+$0x100]  }
0x17: {  	v5 =	vld [tilespmem:s13+$0x180]  }
0x18: {  	v6 =	vld [tilespmem:s13+$0x200]  }
0x19: {  	v7 =	vld [tilespmem:s13+$0x280]  }
0x1a: {  	v8 =	vld [tilespmem:s13+$0x300];
	v9 =	vmax.f32 v2, v3  }
0x1b: {  	v10 =	vld [tilespmem:s13+$0x380];
	v9 =	vmax.f32 v9, v4  }
0x1c: {  	v9 =	vmax.f32 v9, v5  }
0x1d: {  	v9 =	vmax.f32 v9, v6  }
0x1e: {  	v9 =	vmax.f32 v9, v7  }
0x1f: {  	v9 =	vmax.f32 v9, v8  }
0x20: {  	v9 =	vmax.f32 v9, v10  }
0x21: {  	v2 =	vsub.f32 v2, v9  }
0x22: {  	v3 =	vsub.f32 v3, v9  }
0x23: {  	v2 =	vmul.f32 $1.442695020e+00, v2  }
0x24: {  	v4 =	vsub.f32 v4, v9;
	v3 =	vmul.f32 $1.442695020e+00, v3  }
0x25: {  	(erf) = vpow2.f32 v2  }
0x26: {  	v4 =	vmul.f32 $1.442695020e+00, v4;
	v2 =	vsub.f32 v5, v9;
	(erf) = vpow2.f32 v3  }
0x27: {  	v3 =	vsub.f32 v6, v9  }
0x28: {  	v2 =	vmul.f32 $1.442695020e+00, v2;
	(erf) = vpow2.f32 v4;
	v4 =	vsub.f32 v7, v9  }
0x29: {  	v3 =	vmul.f32 $1.442695020e+00, v3  }
0x2a: {  	(erf) = vpow2.f32 v2;
	v4 =	vmul.f32 $1.442695020e+00, v4;
	_ =	sdelay $0x1  }
0x2b: {  	v2 =	vsub.f32 v8, v9;
	(erf) = vpow2.f32 v3  }
0x2c: {  	v3 =	vsub.f32 v10, v9  }
0x2d: {  	v2 =	vmul.f32 $1.442695020e+00, v2;
	(erf) = vpow2.f32 v4;
	v4 =	vpop (erf)  }
0x2e: {  	v3 =	vmul.f32 $1.442695020e+00, v3;
	v5 =	vpop (erf)  }
0x2f: {  	(erf) = vpow2.f32 v2;
	v2 =	vadd.f32 v5, v4  }
0x30: {  	v6 =	vpop (erf)  }
0x31: {  	(erf) = vpow2.f32 v3;
	v2 =	vadd.f32 v2, v6  }
0x32: {  	v3 =	vpop (erf)  }
0x33: {  	v2 =	vadd.f32 v2, v3  }
0x34: {  	v7 =	vpop (erf)  }
0x35: {  	v2 =	vadd.f32 v2, v7  }
0x36: {  	v8 =	vpop (erf)  }
0x37: {  	v2 =	vadd.f32 v2, v8  }
0x38: {  	v9 =	vpop (erf)  }
0x39: {  	v2 =	vadd.f32 v2, v9  }
0x3a: {  	v10 =	vpop (erf)  }
0x3b: {  	v2 =	vadd.f32 v2, v10;
	_ =	sdelay $0x1  }
0x3c: {  	(erf) = vrcp.f32 v2;
	_ =	sdelay $0x5  }
0x3d: {  	v11 =	vld [tilespmem:$0x2000]  }
0x3e: {  	v2 =	vld [tilespmem:$0x2080]  }
0x3f: {  	v12 =	vld [tilespmem:$0x2100]  }
0x40: {  	v13 =	vld [tilespmem:$0x2180];
	v14 =	vpop (erf)  }
0x41: {  	v15 =	vld [tilespmem:$0x2200];
	v4 =	vmul.f32 v14, v4;
	v5 =	vmul.f32 v14, v5  }
0x42: {  	v16 =	vld [tilespmem:$0x2280];
	v6 =	vmul.f32 v14, v6  }
0x43: {  	v17 =	vmul.f32 v14, v3;
	v3 =	vld [tilespmem:$0x2300];
	v11 =	vadd.f32 v4, v11;
	v18 =	vadd.f32 v5, v2  }
0x44: {  	v19 =	vld [tilespmem:$0x2380];
	v7 =	vmul.f32 v14, v7;
	v12 =	vadd.f32 v6, v12  }
0x45: {  	v8 =	vmul.f32 v14, v8;
	v13 =	vadd.f32 v17, v13;
	v2 =	vmax.f32 v11, v18  }
0x46: {  	v9 =	vmul.f32 v14, v9;
	v15 =	vadd.f32 v7, v15;
	v20 =	vmax.f32 v2, v12  }
0x47: {  	v2 =	vmul.f32 v14, v10;
	v10 =	vadd.f32 v8, v16;
	v48 =	vmax.f32 v20, v13  }
0x48: {  	v49 =	vadd.f32 v9, v3;
	v3 =	vmax.f32 v48, v15  }
0x49: {  	v50 =	vadd.f32 v2, v19;
	v3 =	vmax.f32 v3, v10  }
0x4a: {  	v3 =	vmax.f32 v3, v49  }
0x4b: {  	v3 =	vmax.f32 v3, v50  }
0x4c: {  	vm0 =	veq.f32 v50, v3  }
0x4d: {  	v4 =	vadd.f32 $0.0e+00, v4;
	vm1 =	veq.f32 v49, v3;
	v51 =	vsel vm0, $0x7, v0  }
0x4e: {  	vm2 =	veq.f32 v10, v3;
	vm3 =	veq.f32 v12, v3;
	v19 =	vsel vm1, $0x6, v51  }
0x4f: {  	vm4 =	vne.f32 v11, v3;
	vm0 =	veq.f32 v15, v3;
	v19 =	vsel vm2, $0x5, v19  }
0x50: {  	vm7 =	veq.f32 v11, v3;
	vm1 =	veq.f32 v13, v3;
	v19 =	vsel vm0, $0x4, v19  }
0x51: {  	v52 =	vnsel vm7, $0x0, v4;
	vm2 =	veq.f32 v18, v3;
	v3 =	vsel vm1, $0x3, v19  }
0x52: {  	v11 =	vsel vm7, $0xFF800000, v11;
	vm6 =	vmand vm4, vm2;
	v3 =	vsel vm3, $0x2, v3  }
0x53: {  	v53 =	vnsel vm6, $0x0, v5;
	v18 =	vsel vm6, $0xFF800000, v18;
	v3 =	vsel vm2, $0x1, v3  }
0x54: {  	v19 =	vadd.f32 v53, v52;
	v54 =	vmax.f32 v11, v18;
	v3 =	vsel vm7, $0x0, v3  }
0x55: {  	vm5 =	veq.s32 v3, $0x2;
	vm4 =	veq.s32 v3, $0x3;
	vm0 =	veq.s32 v3, $0x4  }
0x56: {  	vm2 =	veq.s32 v3, $0x5;
	vm3 =	veq.s32 v3, $0x6;
	v12 =	vsel vm5, $0xFF800000, v12  }
0x57: {  	vm1 =	veq.s32 v3, $0x7;
	v13 =	vsel vm4, $0xFF800000, v13;
	v20 =	vmax.f32 v54, v12  }
0x58: {  	v15 =	vsel vm0, $0xFF800000, v15;
	v10 =	vsel vm2, $0xFF800000, v10;
	v20 =	vmax.f32 v20, v13  }
0x59: {  	v16 =	vsel vm3, $0xFF800000, v49;
	v21 =	vnsel vm5, $0x0, v6;
	v20 =	vmax.f32 v20, v15  }
0x5a: {  	v14 =	vsel vm1, $0xFF800000, v50;
	v19 =	vadd.f32 v21, v19;
	v20 =	vmax.f32 v20, v10  }
0x5b: {  	v55 =	vnsel vm4, $0x0, v17;
	v22 =	vnsel vm0, $0x0, v7;
	v20 =	vmax.f32 v20, v16  }
0x5c: {  	v56 =	vnsel vm2, $0x0, v8;
	v19 =	vadd.f32 v19, v55;
	v20 =	vmax.f32 v20, v14  }
0x5d: {  	vm8 =	veq.f32 v14, v20;
	vm9 =	veq.f32 v16, v20;
	vm10 =	veq.f32 v15, v20  }
0x5e: {  	vm11 =	veq.f32 v13, v20;
	vm12 =	vne.f32 v11, v20;
	v14 =	vsel vm8, $0x7, v0  }
0x5f: {  	vm8 =	veq.f32 v10, v20;
	v10 =	vsel vm9, $0x6, v14;
	vm9 =	veq.f32 v12, v20  }
0x60: {  	v10 =	vsel vm8, $0x5, v10;
	vm8 =	veq.f32 v11, v20;
	v11 =	vadd.f32 v19, v22  }
0x61: {  	v57 =	vsel vm10, $0x4, v10;
	vm7 =	vmor vm7, vm8;
	v10 =	vnsel vm3, $0x0, v9  }
0x62: {  	vm10 =	veq.f32 v18, v20;
	v59 =	vnsel vm8, $0x0, v4;
	v12 =	vsel vm11, $0x3, v57  }
0x63: {  	v58 =	vsel vm7, $0x1, v1;
	vm7 =	vmand vm12, vm10;
	v12 =	vsel vm9, $0x2, v12  }
0x64: {  	v5 =	vnsel vm7, $0x0, v5;
	vm6 =	vmor vm6, vm7;
	v4 =	vsel vm10, $0x1, v12  }
0x65: {  	v5 =	vadd.f32 v5, v59;
	v60 =	vsel vm6, $0x2, v1;
	v4 =	vsel vm8, $0x0, v4  }
0x66: {  	vm10 =	veq.s32 v4, $0x2;
	vm11 =	veq.s32 v4, $0x3;
	vm6 =	veq.s32 v4, $0x4  }
0x67: {  	vm9 =	veq.s32 v4, $0x5;
	vm8 =	veq.s32 v4, $0x6;
	v6 =	vnsel vm10, $0x0, v6  }
0x68: {  	vm7 =	veq.s32 v4, $0x7;
	v61 =	vnsel vm11, $0x0, v17;
	v5 =	vadd.f32 v6, v5  }
0x69: {  	v62 =	vnsel vm6, $0x0, v7;
	v8 =	vnsel vm9, $0x0, v8;
	vm5 =	vmor vm5, vm10  }
0x6a: {  	v7 =	vnsel vm7, $0x0, v2;
	vm4 =	vmor vm4, vm11;
	v14 =	vadd.f32 v5, v61  }
0x6b: {  	s15 =	simm.s32 $0x10;
	s16 =	simm.s32 $0x0;
	s17 =	simm.s32 $0x2400;
	v6 =	vnsel vm8, $0x0, v9;
	v63 =	vsel vm5, $0x4, v1;
	v5 =	vor.u32 v58, v60  }
0x6c: {  	s18 =	simm.s32 $0x2800;
	s14 =	simm.s32 $0x2800;
	s13 =	simm.s32 $0x2400;
	v9 =	vadd.f32 v11, v56;
	v5 =	vor.u32 v63, v5;
	v11 =	vadd.f32 v14, v62  }
.LBB2_2:
0x6d: {  	vm5 =	vmor vm0, vm6;
	vm2 =	vmor vm2, vm9;
	vm0 =	vmor vm3, vm8;
	s16 =	sadd.s32 $0x80, s16;
	s17 =	sadd.s32 $0x10, s17;
	s18 =	sadd.s32 $0x10, s18  }
0x6e: {  	p0 =	sne.s32 s15, $0x3F0;
	v2 =	vnsel vm1, $0x0, v2;
	vm1 =	vmor vm1, vm7;
	s19 =	smov.u32 s15;
	s15 =	sadd.s32 $0x10, s15;
	v8 =	vadd.f32 v11, v8  }
0x6f: {  	v9 =	vadd.f32 v9, v10;
	s19 =	sand.u32 $0x70, s19;
	s20 =	sand.u32 $0x1C00, s16  }
0x70: {  	s19 =	sor.u32 s19, s20;
	v6 =	vadd.f32 v8, v6  }
0x71: {  	v2 =	vadd.f32 v9, v2  }
0x72: {  	v6 =	vadd.f32 v6, v7;
	_ =	sdelay $0x1  }
0x73: {  	v6 =	vadd.f32 v6, v2;
	_ =	sdelay $0x1  }
0x74: {  	v6 =	vadd.f32 $9.999999710e-10, v6;
	_ =	sdelay $0x1  }
0x75: {  	(erf) = vrcp.f32 v6;
	_ =	sdelay $0x2  }
0x76: {  	v6 =	vsel vm4, $0x8, v1  }
0x77: {  	v5 =	vor.u32 v6, v5;
	v6 =	vsel vm5, $0x10, v1  }
0x78: {  	v5 =	vor.u32 v6, v5;
	v6 =	vsel vm2, $0x20, v1  }
0x79: {  	v5 =	vor.u32 v6, v5;
	v6 =	vsel vm0, $0x40, v1  }
0x7a: {  	v7 =	vsel vm1, $0x80, v1;
	v5 =	vor.u32 v6, v5  }
0x7b: {  	v5 =	vor.u32 v7, v5  }
0x7c: {  	v4 =	vshll.u32 v4, $0x3;
	v5 =	vshll.u32 v5, $0x6;
	v6 =	vpop (erf)  }
0x7d: {  	v4 =	vor.u32 v5, v4;
	v2 =	vmul.f32 v6, v2  }
0x7e: {  	v3 =	vor.u32 v3, v4  }
0x7f: {  	[tilespmem:s13+$0x0] =	vst v2;
	s13 =	smov.u32 s17  }
0x80: {  	[tilespmem:s14+$0x0] =	vst v3;
	s14 =	smov.u32 s18  }
0x81: {  	v2 =	vld [tilespmem:s19+$0x100]  }
0x82: {  	v3 =	vld [tilespmem:s19+$0x0]  }
0x83: {  	v4 =	vld [tilespmem:s19+$0x80]  }
0x84: {  	v5 =	vld [tilespmem:s19+$0x180]  }
0x85: {  	v6 =	vld [tilespmem:s19+$0x380]  }
0x86: {  	v7 =	vld [tilespmem:s19+$0x200]  }
0x87: {  	v8 =	vld [tilespmem:s19+$0x280]  }
0x88: {  	v9 =	vld [tilespmem:s19+$0x300];
	v10 =	vmax.f32 v3, v4  }
0x89: {  	v10 =	vmax.f32 v10, v2  }
0x8a: {  	v10 =	vmax.f32 v10, v5  }
0x8b: {  	v10 =	vmax.f32 v10, v7  }
0x8c: {  	v10 =	vmax.f32 v10, v8  }
0x8d: {  	v10 =	vmax.f32 v10, v9  }
0x8e: {  	v10 =	vmax.f32 v10, v6  }
0x8f: {  	v3 =	vsub.f32 v3, v10;
	v4 =	vsub.f32 v4, v10  }
0x90: {  	v2 =	vsub.f32 v2, v10;
	v5 =	vsub.f32 v5, v10  }
0x91: {  	v7 =	vsub.f32 v7, v10;
	v3 =	vmul.f32 $1.442695020e+00, v3;
	v4 =	vmul.f32 $1.442695020e+00, v4  }
0x92: {  	v8 =	vsub.f32 v8, v10;
	v2 =	vmul.f32 $1.442695020e+00, v2;
	v5 =	vmul.f32 $1.442695020e+00, v5  }
0x93: {  	v9 =	vsub.f32 v9, v10;
	v7 =	vmul.f32 $1.442695020e+00, v7;
	(erf) = vpow2.f32 v3  }
0x94: {  	v6 =	vsub.f32 v6, v10;
	v3 =	vmul.f32 $1.442695020e+00, v8;
	(erf) = vpow2.f32 v4  }
0x95: {  	v4 =	vmul.f32 $1.442695020e+00, v9;
	(erf) = vpow2.f32 v2  }
0x96: {  	v2 =	vmul.f32 $1.442695020e+00, v6  }
0x97: {  	(erf) = vpow2.f32 v5;
	_ =	sdelay $0x1  }
0x98: {  	(erf) = vpow2.f32 v7;
	_ =	sdelay $0x1  }
0x99: {  	(erf) = vpow2.f32 v3  }
0x9a: {  	v3 =	vpop (erf)  }
0x9b: {  	v5 =	vpop (erf);
	(erf) = vpow2.f32 v4  }
0x9c: {  	v4 =	vadd.f32 v5, v3;
	v6 =	vpop (erf)  }
0x9d: {  	(erf) = vpow2.f32 v2  }
0x9e: {  	v2 =	vadd.f32 v4, v6;
	v7 =	vpop (erf);
	_ =	sdelay $0x1  }
0x9f: {  	v2 =	vadd.f32 v2, v7;
	v8 =	vpop (erf);
	_ =	sdelay $0x1  }
0xa0: {  	v2 =	vadd.f32 v2, v8;
	v9 =	vpop (erf);
	_ =	sdelay $0x1  }
0xa1: {  	v2 =	vadd.f32 v2, v9;
	v10 =	vpop (erf);
	_ =	sdelay $0x1  }
0xa2: {  	v2 =	vadd.f32 v2, v10;
	v11 =	vpop (erf);
	_ =	sdelay $0x1  }
0xa3: {  	v2 =	vadd.f32 v2, v11;
	_ =	sdelay $0x1  }
0xa4: {  	(erf) = vrcp.f32 v2;
	_ =	sdelay $0x4  }
0xa5: {  	v2 =	vld [tilespmem:$0x2080]  }
0xa6: {  	v12 =	vld [tilespmem:$0x2000]  }
0xa7: {  	v13 =	vld [tilespmem:$0x2100]  }
0xa8: {  	v14 =	vld [tilespmem:$0x2180]  }
0xa9: {  	v15 =	vld [tilespmem:$0x2200];
	v16 =	vpop (erf)  }
0xaa: {  	v3 =	vmul.f32 v16, v3;
	v4 =	vmul.f32 v16, v5;
	v17 =	vld [tilespmem:$0x2280]  }
0xab: {  	v5 =	vmul.f32 v16, v6;
	v6 =	vmul.f32 v16, v7;
	v18 =	vld [tilespmem:$0x2300]  }
0xac: {  	v8 =	vmul.f32 v16, v8;
	v12 =	vadd.f32 v3, v12;
	v19 =	vadd.f32 v4, v2;
	v20 =	vld [tilespmem:$0x2380]  }
0xad: {  	v7 =	vmul.f32 v16, v9;
	v13 =	vadd.f32 v5, v13;
	v14 =	vadd.f32 v6, v14  }
0xae: {  	v9 =	vmul.f32 v16, v10;
	v10 =	vadd.f32 v8, v15;
	v15 =	vmax.f32 v12, v19  }
0xaf: {  	v2 =	vmul.f32 v16, v11;
	v11 =	vadd.f32 v7, v17;
	v15 =	vmax.f32 v15, v13  }
0xb0: {  	v16 =	vadd.f32 v9, v18;
	v15 =	vmax.f32 v15, v14  }
0xb1: {  	v17 =	vadd.f32 v2, v20;
	v15 =	vmax.f32 v15, v10  }
0xb2: {  	v15 =	vmax.f32 v15, v11  }
0xb3: {  	v15 =	vmax.f32 v15, v16  }
0xb4: {  	v18 =	vadd.f32 $0.0e+00, v3;
	v15 =	vmax.f32 v15, v17  }
0xb5: {  	vm0 =	veq.f32 v17, v15;
	vm1 =	veq.f32 v16, v15;
	vm2 =	veq.f32 v10, v15  }
0xb6: {  	vm3 =	veq.f32 v14, v15;
	v3 =	vsel vm0, $0x7, v0;
	vm0 =	veq.f32 v11, v15  }
0xb7: {  	vm4 =	veq.f32 v19, v15;
	v3 =	vsel vm1, $0x6, v3;
	vm1 =	veq.f32 v13, v15  }
0xb8: {  	vm7 =	veq.f32 v12, v15;
	v3 =	vsel vm0, $0x5, v3;
	vm0 =	vne.f32 v12, v15  }
0xb9: {  	v15 =	vnsel vm7, $0x0, v18;
	v3 =	vsel vm2, $0x4, v3;
	vm6 =	vmand vm0, vm4  }
0xba: {  	v3 =	vsel vm3, $0x3, v3;
	v20 =	vnsel vm6, $0x0, v4  }
0xbb: {  	v3 =	vsel vm1, $0x2, v3;
	v15 =	vadd.f32 v20, v15  }
0xbc: {  	v12 =	vsel vm7, $0xFF800000, v12;
	v19 =	vsel vm6, $0xFF800000, v19;
	v3 =	vsel vm4, $0x1, v3  }
0xbd: {  	v20 =	vmax.f32 v12, v19;
	v3 =	vsel vm7, $0x0, v3  }
0xbe: {  	vm5 =	veq.s32 v3, $0x2;
	vm4 =	veq.s32 v3, $0x3;
	vm0 =	veq.s32 v3, $0x4  }
0xbf: {  	vm2 =	veq.s32 v3, $0x5;
	v13 =	vsel vm5, $0xFF800000, v13;
	v14 =	vsel vm4, $0xFF800000, v14  }
0xc0: {  	vm3 =	veq.s32 v3, $0x6;
	v10 =	vsel vm0, $0xFF800000, v10;
	v20 =	vmax.f32 v20, v13  }
0xc1: {  	vm1 =	veq.s32 v3, $0x7;
	v11 =	vsel vm2, $0xFF800000, v11;
	v20 =	vmax.f32 v20, v14  }
0xc2: {  	v16 =	vsel vm3, $0xFF800000, v16;
	v21 =	vnsel vm5, $0x0, v5;
	v20 =	vmax.f32 v20, v10  }
0xc3: {  	v17 =	vsel vm1, $0xFF800000, v17;
	v15 =	vadd.f32 v21, v15;
	v20 =	vmax.f32 v20, v11  }
0xc4: {  	v22 =	vnsel vm0, $0x0, v8;
	v21 =	vnsel vm4, $0x0, v6;
	v20 =	vmax.f32 v20, v16  }
0xc5: {  	v15 =	vadd.f32 v15, v21;
	v21 =	vnsel vm2, $0x0, v7;
	v20 =	vmax.f32 v20, v17  }
0xc6: {  	vm8 =	veq.f32 v17, v20;
	vm9 =	veq.f32 v16, v20;
	vm10 =	veq.f32 v10, v20  }
0xc7: {  	vm11 =	veq.f32 v14, v20;
	v10 =	vsel vm8, $0x7, v0;
	vm8 =	veq.f32 v11, v20  }
0xc8: {  	vm12 =	vne.f32 v12, v20;
	v10 =	vsel vm9, $0x6, v10;
	vm9 =	veq.f32 v13, v20  }
0xc9: {  	v11 =	vadd.f32 v15, v22;
	v10 =	vsel vm8, $0x5, v10;
	vm8 =	veq.f32 v12, v20  }
0xca: {  	v12 =	vsel vm10, $0x4, v10;
	vm7 =	vmor vm7, vm8;
	v10 =	vnsel vm3, $0x0, v9  }
0xcb: {  	vm10 =	veq.f32 v19, v20;
	v12 =	vsel vm11, $0x3, v12;
	v13 =	vsel vm7, $0x1, v1  }
0xcc: {  	v14 =	vnsel vm8, $0x0, v18;
	vm7 =	vmand vm12, vm10;
	v12 =	vsel vm9, $0x2, v12  }
0xcd: {  	v15 =	vnsel vm7, $0x0, v4;
	vm6 =	vmor vm6, vm7;
	v12 =	vsel vm10, $0x1, v12  }
0xce: {  	v4 =	vsel vm8, $0x0, v12;
	v12 =	vadd.f32 v15, v14;
	v14 =	vsel vm6, $0x2, v1  }
0xcf: {  	vm10 =	veq.s32 v4, $0x2;
	vm11 =	veq.s32 v4, $0x3;
	vm6 =	veq.s32 v4, $0x4  }
0xd0: {  	v5 =	vnsel vm10, $0x0, v5;
	v15 =	vnsel vm11, $0x0, v6;
	v16 =	vnsel vm6, $0x0, v8  }
.Ltmp0:
0xd1: {  	vm9 =	veq.s32 v4, $0x5;
	vm8 =	veq.s32 v4, $0x6;
	v5 =	vadd.f32 v5, v12;
	(pc) =	sbr.rel @p0 .LBB2_2-.Ltmp0, $4  }
0xd2: {  	vm7 =	veq.s32 v4, $0x7;
	v8 =	vnsel vm9, $0x0, v7;
	v6 =	vnsel vm8, $0x0, v9  }
0xd3: {  	vm5 =	vmor vm5, vm10;
	v7 =	vnsel vm7, $0x0, v2;
	v12 =	vadd.f32 v5, v15  }
0xd4: {  	v9 =	vadd.f32 v11, v21;
	v5 =	vor.u32 v13, v14;
	v13 =	vsel vm5, $0x4, v1  }
0xd5: {  	vm4 =	vmor vm4, vm11;
	v5 =	vor.u32 v13, v5;
	v11 =	vadd.f32 v12, v16  }
0xd6: {  	_ = 	snop  }
0xd7: {  	v8 =	vadd.f32 v11, v8;
	_ =	sdelay $0x1  }
0xd8: {  	v9 =	vadd.f32 v9, v10;
	v6 =	vadd.f32 v8, v6  }
0xd9: {  	v2 =	vnsel vm1, $0x0, v2  }
0xda: {  	v2 =	vadd.f32 v9, v2;
	v6 =	vadd.f32 v6, v7;
	_ =	sdelay $0x1  }
0xdb: {  	v6 =	vadd.f32 v6, v2;
	_ =	sdelay $0x1  }
0xdc: {  	v6 =	vadd.f32 $9.999999710e-10, v6;
	_ =	sdelay $0x1  }
0xdd: {  	(erf) = vrcp.f32 v6;
	_ =	sdelay $0x3  }
0xde: {  	vm0 =	vmor vm0, vm6;
	v58 =	vsel vm4, $0x8, v1  }
0xdf: {  	vm2 =	vmor vm2, vm9;
	v5 =	vor.u32 v58, v5;
	v59 =	vsel vm0, $0x10, v1  }
0xe0: {  	vm14 =	vmor vm3, vm8;
	v60 =	vsel vm2, $0x20, v1;
	v5 =	vor.u32 v59, v5  }
0xe1: {  	vm15 =	vmor vm1, vm7;
	v61 =	vsel vm14, $0x40, v1;
	v5 =	vor.u32 v60, v5  }
0xe2: {  	v62 =	vsel vm15, $0x80, v1;
	v5 =	vor.u32 v61, v5  }
0xe3: {  	v5 =	vor.u32 v62, v5;
	v63 =	vpop (erf)  }
0xe4: {  	v4 =	vshll.u32 v4, $0x3;
	v5 =	vshll.u32 v5, $0x6;
	v2 =	vmul.f32 v63, v2  }
0xe5: {  	v4 =	vor.u32 v5, v4  }
0xe6: {  	v3 =	vor.u32 v3, v4;
	[tilespmem:s13+$0x0] =	vst v2  }
0xe7: {  	[tilespmem:s14+$0x0] =	vst v3  }
0xe8: {  	[hbm4b:s5+s3] =	stream.linear.scatter [tilespmem:s10], [sflag:$0x1], $0x400, $0x38;
	[tilespmem:$0x2C00] =	vst v63  }
0xe9: {  	s12 =	sadd.s32 $0x1, s12;
	_ =	swait.ge [sflag:s8], $0x400  }
0xea: {  	p0 =	sne.s32 s12, s7;
	[sflag:s8] =	ssyncset.done $0x0  }
.Ltmp1:
0xeb: {  	[sflag:s8] =	ssyncadd.s32 $0xFFFFFC00;
	(pc) =	sbr.rel @p0 .LBB2_1-.Ltmp1, $4  }
0xec: {  	[hbm4b:s6+s3] =	stream.linear.scatter [tilespmem:s11], [sflag:$0x1], $0x400, $0x38;
	[tilespmem:$0x2C00] =	vst v63  }
0xed: {  	_ =	swait.ge [sflag:s8], $0x400  }
0xee: {  	[sflag:s8] =	ssyncset.done $0x0  }
0xef: {  	[sflag:s8] =	ssyncadd.s32 $0xFFFFFC00  }
0xf0: {  	_ =	sfence.sel $0x180000  }
0xf1: {  	[bflag:$0x0] =	sbarrier.arrive $0xFFFF  }
0xf2: {  	p0 =	sne.s32 s1, $0x0;
	_ =	strace $0x90000047  }
0xf3: {  	s0 =	sadd.s32 @!p0 $0x100000, s0;
	[bflag:$0x2] =	sbarrier.arrive $0xFFFF  }
0xf4: {  	[sflag:s0] =	ssyncadd.tile.s32 @!p0 $0x1;
	_ =	shalt  }
.Lfunc_end2:
_tile_overlayer_lowered:
.L_overlay_start_2:
0xf5: {  	(tag) =	ssettag $0x2  }
0xf6: {  	s0 =	rddreg [dreg:$0x0];
	s2 =	stileid.u32  }
0xf7: {  	s1 =	rddreg [dreg:$0x1];
	p0 =	sne.s32 s2, $0x0  }
0xf8: {  	s3 =	rddreg [dreg:$0x2];
	[bflag:$0x3] =	sbarrier.arrive $0xFFFF;
	s2 =	simm.s32 @!p0 $0x1C01  }
0xf9: {  	[timem:s3], [sflag:s2] =	dma.local @!p0 [hbm:s0], s1  }
0xfa: {  	s0 =	simm.s32 @!p0 $0x1  }
0xfb: {  	_ =	swait.ge @!p0 [sflag:s0], s1  }
0xfc: {  	s1 =	ssub.s32 @!p0 $0x0, s1;
	[sflag:s0] =	ssyncset.done @!p0 $0x0  }
0xfd: {  	[sflag:s0] =	ssyncadd.s32 @!p0 s1  }
0xfe: {  	[bflag:$0x3] =	sbarrier.arrive $0xFFFF  }
0xff: {  	_ =	shalt  }

</sc_bundles>
